<compile_context>
chip_gen: v7x
topology: tpu7x:2x2x1
jax: 0.10.2.dev20260603
libtpu: 0.0.44.dev20260713+nightly
codegen_flags: <defaults>
</compile_context>

<pallas_src>
import functools

import jax
import jax.numpy as jnp
from jax import lax
from jax.experimental import pallas as pl
from jax.experimental.pallas import tpu as pltpu
from jax.experimental.pallas import tpu_sc as plsc

MAX_ATOMS = 50
N_GRAPH_FEAT = 30
N_ATOM_FEAT = 75
N_ATOMS = 12800
LAYER_SIZE = 64
JPAD = 64
PAD_SLOT = 51
B = 512
NB = N_ATOMS // B
PROJ_ROWS = 1600
GATHER_WINDOW = 128


def _proj_body(af_ref, w_ref, b_ref, z_ref):
    z_ref[...] = (
        lax.dot(af_ref[...], w_ref[...], preferred_element_type=jnp.float32)
        + b_ref[...]
    )


def _project_atoms(atom_features, w0a, b0):
    return pl.pallas_call(
        _proj_body,
        grid=(N_ATOMS // PROJ_ROWS,),
        in_specs=[
            pl.BlockSpec((PROJ_ROWS, N_ATOM_FEAT), lambda i: (i, 0)),
            pl.BlockSpec((N_ATOM_FEAT, LAYER_SIZE), lambda i: (0, 0)),
            pl.BlockSpec((1, LAYER_SIZE), lambda i: (0, 0)),
        ],
        out_specs=pl.BlockSpec((PROJ_ROWS, LAYER_SIZE), lambda i: (i, 0)),
        out_shape=jax.ShapeDtypeStruct((N_ATOMS, LAYER_SIZE), jnp.float32),
    )(atom_features, w0a, b0)


def _sc_gather(table, idx_flat):
    n = idx_flat.shape[0]
    idx2 = idx_flat.reshape(1, n)
    mesh = plsc.VectorSubcoreMesh(core_axis_name="core", subcore_axis_name="subcore")

    @functools.partial(
        pl.kernel,
        out_type=jax.ShapeDtypeStruct((n, LAYER_SIZE), jnp.float32),
        mesh=mesh,
        compiler_params=pltpu.CompilerParams(use_tc_tiling_on_sc=False),
    )
    def k(table_hbm, i_hbm, o_hbm):
        def body(i_vmem, o_vmem):
            pltpu.sync_copy(table_hbm.at[i_vmem.at[0]], o_vmem)

        pltpu.emit_pipeline(
            body,
            grid=(n // GATHER_WINDOW,),
            in_specs=[pl.BlockSpec((1, GATHER_WINDOW), index_map=lambda i: (0, i))],
            out_specs=[
                pl.BlockSpec((GATHER_WINDOW, LAYER_SIZE), index_map=lambda i: (i, 0))
            ],
            core_axis_name=("core", "subcore"),
            dimension_semantics=(pltpu.PARALLEL,),
        )(i_hbm, o_hbm)

    return k(table, idx2)


def _dag_body(zg_ref, par_ref, w0_ref, w1_ref, b1_ref, out_ref, g_ref):
    k = pl.program_id(1)

    @pl.when(k == 0)
    def _():
        g_ref[...] = jnp.zeros_like(g_ref)

    par = par_ref[0]
    tgt = par[:, 0:1]
    idx64 = jnp.pad(par[:, 1:], ((0, 0), (0, JPAD - (MAX_ATOMS - 1))),
                    constant_values=PAD_SLOT)
    idx128 = jnp.concatenate([idx64, idx64 + JPAD], axis=1)

    parts = []
    for p in range(N_GRAPH_FEAT // 2):
        gpair = g_ref[:, p * 128:(p + 1) * 128]
        parts.append(jnp.take_along_axis(gpair, idx128, axis=-1))
    gf = jnp.concatenate(parts, axis=1)

    h = jnp.maximum(
        zg_ref[0]
        + lax.dot(gf.astype(jnp.bfloat16), w0_ref[...],
                  preferred_element_type=jnp.float32),
        0.0,
    )
    out = jnp.maximum(
        lax.dot(h.astype(jnp.bfloat16), w1_ref[...],
                preferred_element_type=jnp.float32) + b1_ref[...],
        0.0,
    )

    lane = lax.broadcasted_iota(jnp.int32, (B, 128), 1)
    cond = (lane & (JPAD - 1)) == tgt
    ge64 = (lane >= JPAD).astype(jnp.int32)
    outp = jnp.pad(out, ((0, 0), (0, 128 - N_GRAPH_FEAT)))
    for p in range(N_GRAPH_FEAT // 2):
        gpair = g_ref[:, p * 128:(p + 1) * 128]
        val = jnp.take_along_axis(outp, ge64 + 2 * p, axis=-1)
        g_ref[:, p * 128:(p + 1) * 128] = jnp.where(cond, val, gpair)
    out_ref[...] = out


def _dag_sweep(zg, parT, w0g, w1, b1):
    return pl.pallas_call(
        _dag_body,
        grid=(NB, MAX_ATOMS),
        in_specs=[
            pl.BlockSpec((1, B, LAYER_SIZE), lambda b, k: (k, b, 0)),
            pl.BlockSpec((1, B, MAX_ATOMS), lambda b, k: (k, b, 0)),
            pl.BlockSpec((N_GRAPH_FEAT * JPAD, LAYER_SIZE), lambda b, k: (0, 0)),
            pl.BlockSpec((LAYER_SIZE, N_GRAPH_FEAT), lambda b, k: (0, 0)),
            pl.BlockSpec((1, N_GRAPH_FEAT), lambda b, k: (0, 0)),
        ],
        out_specs=pl.BlockSpec((B, N_GRAPH_FEAT), lambda b, k: (b, 0)),
        out_shape=jax.ShapeDtypeStruct((N_ATOMS, N_GRAPH_FEAT), jnp.float32),
        scratch_shapes=[pltpu.VMEM((B, N_GRAPH_FEAT * JPAD), jnp.float32)],
        compiler_params=pltpu.CompilerParams(
            dimension_semantics=("parallel", "arbitrary"),
        ),
    )(zg, parT, w0g, w1, b1)


def kernel(atom_features, parents, calculation_orders, calculation_masks,
           n_atoms, W0, b0, W1, b1):
    del calculation_masks, n_atoms
    w0a = W0[:N_ATOM_FEAT]
    w0g = W0[N_ATOM_FEAT:].reshape(MAX_ATOMS - 1, N_GRAPH_FEAT, LAYER_SIZE)
    w0g = jnp.pad(
        w0g.transpose(1, 0, 2), ((0, 0), (0, JPAD - (MAX_ATOMS - 1)), (0, 0))
    ).reshape(N_GRAPH_FEAT * JPAD, LAYER_SIZE)

    z = _project_atoms(atom_features, w0a, b0.reshape(1, LAYER_SIZE))
    idx_flat = calculation_orders.T.reshape(-1)
    zg = _sc_gather(z, idx_flat).reshape(MAX_ATOMS, N_ATOMS, LAYER_SIZE)
    parT = parents.transpose(1, 0, 2)
    return _dag_sweep(zg, parT, w0g.astype(jnp.bfloat16),
                      W1.astype(jnp.bfloat16), b1.reshape(1, N_GRAPH_FEAT))

# --- scband reference (transcript-rebuilt; emitter-appended) ---
"""Pipeline reference for scband-daglayer-76063870812670 (READ-ONLY COPY).

The authoritative reference and input builder live on the scoring server;
editing this copy changes nothing except your own understanding.
"""

import jax, jax.numpy as jnp
import numpy as np

MAX_ATOMS = 50
N_GRAPH_FEAT = 30
N_ATOM_FEAT = 75
BATCH_SIZE = 256
N_ATOMS = MAX_ATOMS * BATCH_SIZE
LAYER_SIZE = 64
N_INPUTS = N_ATOM_FEAT + (MAX_ATOMS - 1) * N_GRAPH_FEAT


def _glorot(key, shape):
    lim = np.sqrt(6.0 / (shape[0] + shape[1]))
    return jax.random.uniform(key, shape, minval=-lim, maxval=lim, dtype=jnp.float32)


def setup_inputs(seed: int = 0) -> dict:
    key = jax.random.key(seed)
    ks = jax.random.split(key, 6)
    atom_features = jax.random.normal(ks[0], (N_ATOMS, N_ATOM_FEAT), dtype=jnp.float32)
    parents = jax.random.randint(ks[1], (N_ATOMS, MAX_ATOMS, MAX_ATOMS), 0, MAX_ATOMS + 1, dtype=jnp.int32)
    calculation_orders = jax.random.randint(ks[2], (N_ATOMS, MAX_ATOMS), 0, N_ATOMS, dtype=jnp.int32)
    calculation_masks = jnp.ones((N_ATOMS, MAX_ATOMS), dtype=bool)
    n_atoms = N_ATOMS
    W0 = _glorot(ks[3], (N_INPUTS, LAYER_SIZE))
    b0 = jnp.zeros((LAYER_SIZE,), dtype=jnp.float32)
    W1 = _glorot(ks[4], (LAYER_SIZE, N_GRAPH_FEAT))
    b1 = jnp.zeros((N_GRAPH_FEAT,), dtype=jnp.float32)
    return {"atom_features": atom_features, "parents": parents, "calculation_orders": calculation_orders, "calculation_masks": calculation_masks, "n_atoms": n_atoms, "W0": W0, "b0": b0, "W1": W1, "b1": b1}


def reference(atom_features, parents, calculation_orders, calculation_masks, n_atoms, W0, b0, W1, b1):
    graph_features = jnp.zeros((MAX_ATOMS * BATCH_SIZE, MAX_ATOMS + 1, N_GRAPH_FEAT), dtype=jnp.float32)
    n_atoms_static = atom_features.shape[0]
    atom_range = jnp.arange(n_atoms_static) + (n_atoms - n_atoms_static)
    rows = jnp.repeat(atom_range, MAX_ATOMS - 1)
    batch_outputs = None
    for count in range(MAX_ATOMS):
        current_round = calculation_orders[:, count]
        batch_atom_features = jnp.take(atom_features, current_round, axis=0)
        cols = parents[:, count, 1:].reshape(-1)
        batch_graph_features = graph_features[rows, cols].reshape(n_atoms_static, (MAX_ATOMS - 1) * N_GRAPH_FEAT)
        batch_inputs = jnp.concatenate([batch_atom_features, batch_graph_features], axis=1)
        h = jax.nn.relu(batch_inputs @ W0 + b0)
        batch_outputs = jax.nn.relu(h @ W1 + b1)
        mask = calculation_masks[:, count]
        tgt = parents[:, count, 0]
        old = graph_features[atom_range, tgt]
        new = jnp.where(mask[:, None], batch_outputs, old)
        graph_features = graph_features.at[atom_range, tgt].set(new)
    return batch_outputs

if __name__ == "__main__":
    import jax
    _d = setup_inputs()
    print(jax.jit(kernel)(*tuple(_d.values())))

</pallas_src>

<mosaic_0001>
#map = affine_map<(d0, d1) -> (0, 0)>
module attributes {stable_mosaic.version = 14 : i64} {
  func.func @k(%arg0: i32, %arg1: i32, %arg2: memref<12800x64xf32, #tpu.memory_space<hbm>>, %arg3: memref<1x640000xi32, #tpu.memory_space<hbm>>, %arg4: memref<640000x64xf32, #tpu.memory_space<hbm>>) attributes {dimension_semantics = [#tpu.dimension_semantics<core_parallel>, #tpu.dimension_semantics<subcore_parallel>], iteration_bounds = array<i64: 2, 16>, scalar_prefetch = 0 : i64, scratch_operands = 0 : i64, tpu.core_type = #tpu.core_type<sc_vector_subcore>, window_params = [{transform_indices = #map}, {transform_indices = #map}, {transform_indices = #map}]} {
    %mul3A = arith.constant 1 : i32
    %mul3A_0 = arith.muli %arg1, %mul3A : i32
    %add3A = arith.constant 0 : i32
    %add3A_1 = arith.addi %add3A, %mul3A_0 : i32
    %mul3A_2 = arith.constant 16 : i32
    %mul3A_3 = arith.muli %arg0, %mul3A_2 : i32
    %add3A_4 = arith.addi %add3A_1, %mul3A_3 : i32
    %lt3A = arith.constant 8 : i32
    %lt3A_5 = arith.cmpi slt, %add3A_4, %lt3A : i32
    %jit3A = arith.constant 157 : i32
    %jit3A_6 = arith.constant 156 : i32
    %select_n3A = arith.select %lt3A_5, %jit3A, %jit3A_6 : i32
    %lt3A_7 = arith.constant 8 : i32
    %lt3A_8 = arith.cmpi slt, %add3A_4, %lt3A_7 : i32
    %mul3A_9 = arith.muli %add3A_4, %select_n3A : i32
    %mul3A_10 = arith.constant 156 : i32
    %mul3A_11 = arith.muli %add3A_4, %mul3A_10 : i32
    %add3A_12 = arith.constant 8 : i32
    %add3A_13 = arith.addi %mul3A_11, %add3A_12 : i32
    %select_n3A_14 = arith.select %lt3A_8, %mul3A_9, %add3A_13 : i32
    %mul3A_15 = arith.constant 1 : i32
    %mul3A_16 = arith.muli %mul3A_15, %select_n3A : i32
    "tpu.region"() ({
      %run_scoped3A = memref.alloca() : memref<2x1x128xi32, #tpu.memory_space<vmem>>
      %run_scoped3A_17 = tpu.sem_alloc : memref<2x!tpu.dma_semaphore, #tpu.memory_space<semaphore_mem>>
      %run_scoped3A_18 = memref.alloca() : memref<2x128x64xf32, #tpu.memory_space<vmem>>
      %run_scoped3A_19 = tpu.sem_alloc : memref<2x!tpu.dma_semaphore, #tpu.memory_space<semaphore_mem>>
      %gt3A = arith.constant 0 : i32
      %gt3A_20 = arith.cmpi sgt, %mul3A_16, %gt3A : i32
      %convert_element_type3A = arith.extui %gt3A_20 : i1 to i32
      %cond3A = arith.constant 0 : i32
      %cond3A_21 = arith.cmpi ne, %convert_element_type3A, %cond3A : i32
      scf.if %cond3A_21 {
        %mul3A_22 = arith.constant 1 : i32
        %mul3A_23 = arith.muli %mul3A_22, %select_n3A : i32
        %sub3A = arith.constant 1 : i32
        %sub3A_24 = arith.subi %mul3A_23, %sub3A : i32
        %eq3A = arith.constant 0 : i32
        %eq3A_25 = arith.cmpi eq, %sub3A_24, %eq3A : i32
        %add3A_26 = arith.constant 0 : i32
        %add3A_27 = arith.addi %add3A_26, %select_n3A_14 : i32
        %select_n3A_28 = arith.constant true
        %select_n3A_29 = arith.constant 0 : i32
        %select_n3A_30 = arith.constant -1 : i32
        %select_n3A_31 = arith.select %select_n3A_28, %select_n3A_30, %select_n3A_29 : i32
        %eq3A_32 = arith.constant -1 : i32
        %eq3A_33 = arith.cmpi eq, %select_n3A_31, %eq3A_32 : i32
        %sub3A_34 = arith.constant 1 : i32
        %sub3A_35 = arith.subi %select_n3A, %sub3A_34 : i32
        %select_n3A_36 = arith.select %eq3A_33, %sub3A_35, %select_n3A_31 : i32
        %add3A_37 = arith.addi %select_n3A_36, %select_n3A_14 : i32
        %select_n3A_38 = arith.constant true
        %select_n3A_39 = arith.constant 0 : i32
        %select_n3A_40 = arith.constant 1 : i32
        %select_n3A_41 = arith.select %select_n3A_38, %select_n3A_40, %select_n3A_39 : i32
        %eq3A_42 = arith.cmpi eq, %select_n3A_41, %select_n3A : i32
        %select_n3A_43 = arith.constant 0 : i32
        %select_n3A_44 = arith.select %eq3A_42, %select_n3A_43, %select_n3A_41 : i32
        %add3A_45 = arith.addi %select_n3A_44, %select_n3A_14 : i32
        %add3A_46 = arith.constant 1 : i32
        %add3A_47 = arith.addi %select_n3A_44, %add3A_46 : i32
        %select_n3A_48 = arith.constant true
        %select_n3A_49 = arith.select %select_n3A_48, %add3A_47, %select_n3A_44 : i32
        %eq3A_50 = arith.cmpi eq, %select_n3A_49, %select_n3A : i32
        %select_n3A_51 = arith.constant 0 : i32
        %select_n3A_52 = arith.select %eq3A_50, %select_n3A_51, %select_n3A_49 : i32
        %add3A_53 = arith.addi %select_n3A_52, %select_n3A_14 : i32
        "tpu.trace_start"() <{level = 10 : i32, message = "ep_initialize_0"}> : () -> ()
        %rem3A = arith.constant 0 : i32
        %rem3A_54 = arith.constant 2 : i32
        %rem3A_55 = arith.remui %rem3A, %rem3A_54 : i32
        %mul3A_56 = arith.constant 128 : i32
        %mul3A_57 = arith.muli %mul3A_56, %add3A_27 : i32
        %dma_start3A = arith.constant 0 : i32
        %dma_start3A_58 = arith.constant 0 : i32
        %dma_start3A_59 = tpu.memref_slice %run_scoped3A[%rem3A_55, %dma_start3A, %dma_start3A_58] : memref<2x1x128xi32, #tpu.memory_space<vmem>> -> memref<1x1x128xi32, #tpu.memory_space<vmem>>
        %dma_start3A_60 = tpu.memref_squeeze %dma_start3A_59 : memref<1x1x128xi32, #tpu.memory_space<vmem>> -> memref<1x128xi32, #tpu.memory_space<vmem>>
        %dma_start3A_61 = arith.constant 0 : i32
        %dma_start3A_62 = tpu.memref_slice %arg3[%dma_start3A_61, %mul3A_57] : memref<1x640000xi32, #tpu.memory_space<hbm>> -> memref<1x128xi32, #tpu.memory_space<hbm>>
        %dma_start3A_63 = tpu.memref_slice %run_scoped3A_17[%rem3A_55] : memref<2x!tpu.dma_semaphore, #tpu.memory_space<semaphore_mem>> -> memref<1x!tpu.dma_semaphore, #tpu.memory_space<semaphore_mem>>
        %dma_start3A_64 = tpu.memref_squeeze %dma_start3A_63 : memref<1x!tpu.dma_semaphore, #tpu.memory_space<semaphore_mem>> -> memref<!tpu.dma_semaphore, #tpu.memory_space<semaphore_mem>>
        %dma_start3A_65 = arith.constant 0 : i32
        %dma_start3A_66 = arith.constant 0 : i32
        %dma_start3A_67 = tpu.memref_slice %run_scoped3A[%rem3A_55, %dma_start3A_65, %dma_start3A_66] : memref<2x1x128xi32, #tpu.memory_space<vmem>> -> memref<1x1x128xi32, #tpu.memory_space<vmem>>
        %dma_start3A_68 = tpu.memref_squeeze %dma_start3A_67 : memref<1x1x128xi32, #tpu.memory_space<vmem>> -> memref<1x128xi32, #tpu.memory_space<vmem>>
        %dma_start3A_69 = arith.constant 0 : i32
        %dma_start3A_70 = tpu.memref_slice %arg3[%dma_start3A_69, %mul3A_57] : memref<1x640000xi32, #tpu.memory_space<hbm>> -> memref<1x128xi32, #tpu.memory_space<hbm>>
        tpu.enqueue_dma source(%dma_start3A_70 : memref<1x128xi32, #tpu.memory_space<hbm>>) target(%dma_start3A_68 : memref<1x128xi32, #tpu.memory_space<vmem>>) target_semaphore(%dma_start3A_64 : memref<!tpu.dma_semaphore, #tpu.memory_space<semaphore_mem>>)
        %add3A_71 = arith.constant 0 : i32
        %add3A_72 = arith.constant 1 : i32
        %add3A_73 = arith.addi %add3A_71, %add3A_72 : i32
        %select_n3A_74 = arith.constant true
        %select_n3A_75 = arith.constant 0 : i32
        %select_n3A_76 = arith.select %select_n3A_74, %add3A_73, %select_n3A_75 : i32
        %while3A = arith.constant 0 : i32
        %while3A_77 = arith.constant 0 : i32
        %while3A_78 = arith.constant 0 : i32
        %while3A_79 = arith.constant 0 : i32
        %while3A_80 = arith.constant 0 : i32
        "tpu.trace_stop"() : () -> ()
        %while3A_81 = arith.subi %mul3A_16, %while3A : i32
        %while3A_82 = arith.addi %while3A, %while3A_81 : i32
        %while3A_83 = arith.constant 1 : i32
        %while3A_84 = arith.divsi %while3A_81, %while3A_83 : i32
        %while3A_85 = arith.muli %while3A_84, %while3A_83 : i32
        %while3A_86 = arith.addi %while3A, %while3A_85 : i32
        %while3A_87 = arith.constant 1 : i32
        %while3A_88:5 = scf.for %while3A_142 = %while3A to %while3A_86 step %while3A_87 iter_args(%while3A_143 = %select_n3A_76, %while3A_144 = %while3A_77, %while3A_145 = %while3A_78, %while3A_146 = %while3A_79, %while3A_147 = %while3A_80) -> (i32, i32, i32, i32, i32)  : i32 {
          %mul3A_148 = arith.constant 1 : i32
          %mul3A_149 = arith.muli %mul3A_148, %select_n3A : i32
          %eq3A_150 = arith.constant 0 : i32
          %eq3A_151 = arith.cmpi eq, %while3A_142, %eq3A_150 : i32
          %sub3A_152 = arith.constant 1 : i32
          %sub3A_153 = arith.subi %mul3A_149, %sub3A_152 : i32
          %eq3A_154 = arith.cmpi eq, %while3A_142, %sub3A_153 : i32
          %add3A_155 = arith.addi %while3A_147, %select_n3A_14 : i32
          %sub3A_156 = arith.constant 1 : i32
          %sub3A_157 = arith.subi %while3A_147, %sub3A_156 : i32
          %select_n3A_158 = arith.constant true
          %select_n3A_159 = arith.select %select_n3A_158, %sub3A_157, %while3A_147 : i32
          %eq3A_160 = arith.constant -1 : i32
          %eq3A_161 = arith.cmpi eq, %select_n3A_159, %eq3A_160 : i32
          %sub3A_162 = arith.constant 1 : i32
          %sub3A_163 = arith.subi %select_n3A, %sub3A_162 : i32
          %select_n3A_164 = arith.select %eq3A_161, %sub3A_163, %select_n3A_159 : i32
          %add3A_165 = arith.addi %select_n3A_164, %select_n3A_14 : i32
          %add3A_166 = arith.constant 1 : i32
          %add3A_167 = arith.addi %while3A_147, %add3A_166 : i32
          %select_n3A_168 = arith.constant true
          %select_n3A_169 = arith.select %select_n3A_168, %add3A_167, %while3A_147 : i32
          %eq3A_170 = arith.cmpi eq, %select_n3A_169, %select_n3A : i32
          %select_n3A_171 = arith.constant 0 : i32
          %select_n3A_172 = arith.select %eq3A_170, %select_n3A_171, %select_n3A_169 : i32
          %add3A_173 = arith.addi %select_n3A_172, %select_n3A_14 : i32
          %add3A_174 = arith.constant 1 : i32
          %add3A_175 = arith.addi %select_n3A_172, %add3A_174 : i32
          %select_n3A_176 = arith.constant true
          %select_n3A_177 = arith.select %select_n3A_176, %add3A_175, %select_n3A_172 : i32
          %eq3A_178 = arith.cmpi eq, %select_n3A_177, %select_n3A : i32
          %select_n3A_179 = arith.constant 0 : i32
          %select_n3A_180 = arith.select %eq3A_178, %select_n3A_179, %select_n3A_177 : i32
          %add3A_181 = arith.addi %select_n3A_180, %select_n3A_14 : i32
          %ne3A = arith.cmpi ne, %add3A_155, %add3A_173 : i32
          %or3A = arith.constant false
          %or3A_182 = arith.ori %or3A, %ne3A : i1
          %sub3A_183 = arith.constant 2 : i32
          %sub3A_184 = arith.subi %mul3A_149, %sub3A_183 : i32
          %add3A_185 = arith.constant 1 : i32
          %add3A_186 = arith.addi %sub3A_184, %add3A_185 : i32
          %ge3A = arith.cmpi sge, %while3A_142, %add3A_186 : i32
          %not3A = arith.constant true
          %not3A_187 = arith.xori %ge3A, %not3A : i1
          %and3A = arith.andi %or3A_182, %not3A_187 : i1
          %convert_element_type3A_188 = arith.extui %and3A : i1 to i32
          %cond3A_189 = arith.constant 0 : i32
          %cond3A_190 = arith.cmpi ne, %convert_element_type3A_188, %cond3A_189 : i32
          scf.if %cond3A_190 {
            "tpu.trace_start"() <{level = 10 : i32, message = "ep_copy_in"}> : () -> ()
            %rem3A_294 = arith.constant 2 : i32
            %rem3A_295 = arith.remui %while3A_143, %rem3A_294 : i32
            %mul3A_296 = arith.constant 128 : i32
            %mul3A_297 = arith.muli %mul3A_296, %add3A_173 : i32
            %dma_start3A_298 = arith.constant 0 : i32
            %dma_start3A_299 = arith.constant 0 : i32
            %dma_start3A_300 = tpu.memref_slice %run_scoped3A[%rem3A_295, %dma_start3A_298, %dma_start3A_299] : memref<2x1x128xi32, #tpu.memory_space<vmem>> -> memref<1x1x128xi32, #tpu.memory_space<vmem>>
            %dma_start3A_301 = tpu.memref_squeeze %dma_start3A_300 : memref<1x1x128xi32, #tpu.memory_space<vmem>> -> memref<1x128xi32, #tpu.memory_space<vmem>>
            %dma_start3A_302 = arith.constant 0 : i32
            %dma_start3A_303 = tpu.memref_slice %arg3[%dma_start3A_302, %mul3A_297] : memref<1x640000xi32, #tpu.memory_space<hbm>> -> memref<1x128xi32, #tpu.memory_space<hbm>>
            %dma_start3A_304 = tpu.memref_slice %run_scoped3A_17[%rem3A_295] : memref<2x!tpu.dma_semaphore, #tpu.memory_space<semaphore_mem>> -> memref<1x!tpu.dma_semaphore, #tpu.memory_space<semaphore_mem>>
            %dma_start3A_305 = tpu.memref_squeeze %dma_start3A_304 : memref<1x!tpu.dma_semaphore, #tpu.memory_space<semaphore_mem>> -> memref<!tpu.dma_semaphore, #tpu.memory_space<semaphore_mem>>
            %dma_start3A_306 = arith.constant 0 : i32
            %dma_start3A_307 = arith.constant 0 : i32
            %dma_start3A_308 = tpu.memref_slice %run_scoped3A[%rem3A_295, %dma_start3A_306, %dma_start3A_307] : memref<2x1x128xi32, #tpu.memory_space<vmem>> -> memref<1x1x128xi32, #tpu.memory_space<vmem>>
            %dma_start3A_309 = tpu.memref_squeeze %dma_start3A_308 : memref<1x1x128xi32, #tpu.memory_space<vmem>> -> memref<1x128xi32, #tpu.memory_space<vmem>>
            %dma_start3A_310 = arith.constant 0 : i32
            %dma_start3A_311 = tpu.memref_slice %arg3[%dma_start3A_310, %mul3A_297] : memref<1x640000xi32, #tpu.memory_space<hbm>> -> memref<1x128xi32, #tpu.memory_space<hbm>>
            tpu.enqueue_dma source(%dma_start3A_311 : memref<1x128xi32, #tpu.memory_space<hbm>>) target(%dma_start3A_309 : memref<1x128xi32, #tpu.memory_space<vmem>>) target_semaphore(%dma_start3A_305 : memref<!tpu.dma_semaphore, #tpu.memory_space<semaphore_mem>>)
            "tpu.trace_stop"() : () -> ()
          } else {
          }
          %and3A_191 = arith.constant true
          %and3A_192 = arith.andi %and3A, %and3A_191 : i1
          %add3A_193 = arith.constant 1 : i32
          %add3A_194 = arith.addi %while3A_143, %add3A_193 : i32
          %select_n3A_195 = arith.select %and3A_192, %add3A_194, %while3A_143 : i32
          %ne3A_196 = arith.cmpi ne, %add3A_155, %add3A_173 : i32
          %or3A_197 = arith.constant false
          %or3A_198 = arith.ori %or3A_197, %ne3A_196 : i1
          %or3A_199 = arith.constant false
          %or3A_200 = arith.ori %or3A_198, %or3A_199 : i1
          %sub3A_201 = arith.constant 2 : i32
          %sub3A_202 = arith.subi %mul3A_149, %sub3A_201 : i32
          %add3A_203 = arith.constant 1 : i32
          %add3A_204 = arith.addi %sub3A_202, %add3A_203 : i32
          %ge3A_205 = arith.cmpi sge, %while3A_142, %add3A_204 : i32
          %not3A_206 = arith.constant true
          %not3A_207 = arith.xori %ge3A_205, %not3A_206 : i1
          %and3A_208 = arith.andi %or3A_200, %not3A_207 : i1
          %ne3A_209 = arith.cmpi ne, %add3A_155, %add3A_165 : i32
          %or3A_210 = arith.constant false
          %or3A_211 = arith.ori %or3A_210, %ne3A_209 : i1
          %or3A_212 = arith.ori %or3A_211, %eq3A_151 : i1
          %convert_element_type3A_213 = arith.extui %or3A_212 : i1 to i32
          %cond3A_214 = arith.constant 0 : i32
          %cond3A_215 = arith.cmpi ne, %convert_element_type3A_213, %cond3A_214 : i32
          scf.if %cond3A_215 {
            "tpu.trace_start"() <{level = 10 : i32, message = "ep_wait_in"}> : () -> ()
            %mul3A_294 = arith.constant 128 : i32
            %mul3A_295 = arith.muli %mul3A_294, %add3A_155 : i32
            %rem3A_296 = arith.constant 2 : i32
            %rem3A_297 = arith.remui %while3A_144, %rem3A_296 : i32
            %dma_wait3A = arith.constant 0 : i32
            %dma_wait3A_298 = arith.constant 0 : i32
            %dma_wait3A_299 = tpu.memref_slice %run_scoped3A[%rem3A_297, %dma_wait3A, %dma_wait3A_298] : memref<2x1x128xi32, #tpu.memory_space<vmem>> -> memref<1x1x128xi32, #tpu.memory_space<vmem>>
            %dma_wait3A_300 = tpu.memref_squeeze %dma_wait3A_299 : memref<1x1x128xi32, #tpu.memory_space<vmem>> -> memref<1x128xi32, #tpu.memory_space<vmem>>
            %dma_wait3A_301 = arith.constant 0 : i32
            %dma_wait3A_302 = tpu.memref_slice %arg3[%dma_wait3A_301, %mul3A_295] : memref<1x640000xi32, #tpu.memory_space<hbm>> -> memref<1x128xi32, #tpu.memory_space<hbm>>
            %dma_wait3A_303 = tpu.memref_slice %run_scoped3A_17[%rem3A_297] : memref<2x!tpu.dma_semaphore, #tpu.memory_space<semaphore_mem>> -> memref<1x!tpu.dma_semaphore, #tpu.memory_space<semaphore_mem>>
            %dma_wait3A_304 = tpu.memref_squeeze %dma_wait3A_303 : memref<1x!tpu.dma_semaphore, #tpu.memory_space<semaphore_mem>> -> memref<!tpu.dma_semaphore, #tpu.memory_space<semaphore_mem>>
            %dma_wait3A_305 = arith.constant 0 : i32
            %dma_wait3A_306 = arith.constant 0 : i32
            %dma_wait3A_307 = tpu.memref_slice %run_scoped3A[%rem3A_297, %dma_wait3A_305, %dma_wait3A_306] : memref<2x1x128xi32, #tpu.memory_space<vmem>> -> memref<1x1x128xi32, #tpu.memory_space<vmem>>
            %dma_wait3A_308 = tpu.memref_squeeze %dma_wait3A_307 : memref<1x1x128xi32, #tpu.memory_space<vmem>> -> memref<1x128xi32, #tpu.memory_space<vmem>>
            %dma_wait3A_309 = arith.constant 0 : i32
            %dma_wait3A_310 = tpu.memref_slice %arg3[%dma_wait3A_309, %mul3A_295] : memref<1x640000xi32, #tpu.memory_space<hbm>> -> memref<1x128xi32, #tpu.memory_space<hbm>>
            tpu.wait_dma2 semaphore(%dma_wait3A_304 : memref<!tpu.dma_semaphore, #tpu.memory_space<semaphore_mem>>) src(%dma_wait3A_310 : memref<1x128xi32, #tpu.memory_space<hbm>>) dst(%dma_wait3A_308 : memref<1x128xi32, #tpu.memory_space<vmem>>)
            "tpu.trace_stop"() : () -> ()
          } else {
          }
          %ne3A_216 = arith.cmpi ne, %add3A_155, %add3A_165 : i32
          %or3A_217 = arith.constant false
          %or3A_218 = arith.ori %or3A_217, %ne3A_216 : i1
          %or3A_219 = arith.constant false
          %or3A_220 = arith.ori %or3A_218, %or3A_219 : i1
          %or3A_221 = arith.ori %or3A_220, %eq3A_151 : i1
          %convert_element_type3A_222 = arith.extui %or3A_221 : i1 to i32
          %cond3A_223 = arith.constant 0 : i32
          %cond3A_224 = arith.cmpi ne, %convert_element_type3A_222, %cond3A_223 : i32
          scf.if %cond3A_224 {
          } else {
          }
          %rem3A_225 = arith.constant 2 : i32
          %rem3A_226 = arith.remui %while3A_144, %rem3A_225 : i32
          %rem3A_227 = arith.constant 2 : i32
          %rem3A_228 = arith.remui %while3A_145, %rem3A_227 : i32
          %run_scoped3A_229 = arith.constant 0 : i32
          "tpu.trace_start"() <{level = 10 : i32, message = "ep_run_kernel"}> : () -> ()
          "tpu.region"() ({
            %run_scoped3A_294 = tpu.sem_alloc : memref<!tpu.dma_semaphore, #tpu.memory_space<semaphore_mem>>
            %dma_start3A_295 = arith.constant 0 : i32
            %dma_start3A_296 = arith.constant 0 : i32
            %dma_start3A_297 = tpu.memref_slice %run_scoped3A_18[%rem3A_228, %dma_start3A_295, %dma_start3A_296] : memref<2x128x64xf32, #tpu.memory_space<vmem>> -> memref<1x128x64xf32, #tpu.memory_space<vmem>>
            %dma_start3A_298 = tpu.memref_squeeze %dma_start3A_297 : memref<1x128x64xf32, #tpu.memory_space<vmem>> -> memref<128x64xf32, #tpu.memory_space<vmem>>
            %dma_start3A_299 = arith.constant 0 : i32
            %dma_start3A_300 = arith.constant 0 : i32
            %dma_start3A_301 = tpu.memref_slice %run_scoped3A[%rem3A_226, %dma_start3A_299, %dma_start3A_300] : memref<2x1x128xi32, #tpu.memory_space<vmem>> -> memref<1x1x128xi32, #tpu.memory_space<vmem>>
            %dma_start3A_302 = tpu.memref_squeeze %dma_start3A_301 : memref<1x1x128xi32, #tpu.memory_space<vmem>> -> memref<1x128xi32, #tpu.memory_space<vmem>>
            %dma_start3A_303 = arith.constant 0 : i32
            %dma_start3A_304 = tpu.memref_slice %dma_start3A_302[%run_scoped3A_229, %dma_start3A_303] : memref<1x128xi32, #tpu.memory_space<vmem>> -> memref<1x128xi32, #tpu.memory_space<vmem>>
            %dma_start3A_305 = tpu.memref_squeeze %dma_start3A_304 : memref<1x128xi32, #tpu.memory_space<vmem>> -> memref<128xi32, #tpu.memory_space<vmem>>
            %dma_start3A_306 = arith.constant 0 : i32
            %dma_start3A_307 = arith.constant 0 : i32
            %dma_start3A_308 = tpu.memref_slice %arg2[%dma_start3A_306, %dma_start3A_307] : memref<12800x64xf32, #tpu.memory_space<hbm>> -> memref<12800x64xf32, #tpu.memory_space<hbm>>
            tpu.enqueue_indirect_dma source(%dma_start3A_308 : memref<12800x64xf32, #tpu.memory_space<hbm>>) target(%dma_start3A_298 : memref<128x64xf32, #tpu.memory_space<vmem>>) offsets(%dma_start3A_305 : memref<128xi32, #tpu.memory_space<vmem>>) semaphore(%run_scoped3A_294 : memref<!tpu.dma_semaphore, #tpu.memory_space<semaphore_mem>>)
            %dma_wait3A = arith.constant 0 : i32
            %dma_wait3A_309 = arith.constant 0 : i32
            %dma_wait3A_310 = tpu.memref_slice %run_scoped3A_18[%rem3A_228, %dma_wait3A, %dma_wait3A_309] : memref<2x128x64xf32, #tpu.memory_space<vmem>> -> memref<1x128x64xf32, #tpu.memory_space<vmem>>
            %dma_wait3A_311 = tpu.memref_squeeze %dma_wait3A_310 : memref<1x128x64xf32, #tpu.memory_space<vmem>> -> memref<128x64xf32, #tpu.memory_space<vmem>>
            %dma_wait3A_312 = arith.constant 0 : i32
            %dma_wait3A_313 = arith.constant 0 : i32
            %dma_wait3A_314 = tpu.memref_slice %run_scoped3A[%rem3A_226, %dma_wait3A_312, %dma_wait3A_313] : memref<2x1x128xi32, #tpu.memory_space<vmem>> -> memref<1x1x128xi32, #tpu.memory_space<vmem>>
            %dma_wait3A_315 = tpu.memref_squeeze %dma_wait3A_314 : memref<1x1x128xi32, #tpu.memory_space<vmem>> -> memref<1x128xi32, #tpu.memory_space<vmem>>
            %dma_wait3A_316 = arith.constant 0 : i32
            %dma_wait3A_317 = tpu.memref_slice %dma_wait3A_315[%run_scoped3A_229, %dma_wait3A_316] : memref<1x128xi32, #tpu.memory_space<vmem>> -> memref<1x128xi32, #tpu.memory_space<vmem>>
            %dma_wait3A_318 = tpu.memref_squeeze %dma_wait3A_317 : memref<1x128xi32, #tpu.memory_space<vmem>> -> memref<128xi32, #tpu.memory_space<vmem>>
            %dma_wait3A_319 = arith.constant 0 : i32
            %dma_wait3A_320 = arith.constant 0 : i32
            %dma_wait3A_321 = tpu.memref_slice %arg2[%dma_wait3A_319, %dma_wait3A_320] : memref<12800x64xf32, #tpu.memory_space<hbm>> -> memref<12800x64xf32, #tpu.memory_space<hbm>>
            tpu.wait_indirect_dma semaphore(%run_scoped3A_294 : memref<!tpu.dma_semaphore, #tpu.memory_space<semaphore_mem>>) src(%dma_wait3A_321 : memref<12800x64xf32, #tpu.memory_space<hbm>>) dst(%dma_wait3A_311 : memref<128x64xf32, #tpu.memory_space<vmem>>)
            tpu.yield
          }) : () -> ()
          "tpu.trace_stop"() : () -> ()
          %ne3A_230 = arith.cmpi ne, %add3A_155, %add3A_173 : i32
          %or3A_231 = arith.constant false
          %or3A_232 = arith.ori %or3A_231, %ne3A_230 : i1
          %or3A_233 = arith.ori %or3A_232, %eq3A_154 : i1
          %convert_element_type3A_234 = arith.extui %or3A_233 : i1 to i32
          %cond3A_235 = arith.constant 0 : i32
          %cond3A_236 = arith.cmpi ne, %convert_element_type3A_234, %cond3A_235 : i32
          scf.if %cond3A_236 {
          } else {
          }
          %and3A_237 = arith.constant false
          %and3A_238 = arith.andi %or3A_233, %and3A_237 : i1
          %ne3A_239 = arith.cmpi ne, %add3A_155, %add3A_173 : i32
          %or3A_240 = arith.constant false
          %or3A_241 = arith.ori %or3A_240, %ne3A_239 : i1
          %or3A_242 = arith.constant false
          %or3A_243 = arith.ori %or3A_241, %or3A_242 : i1
          %or3A_244 = arith.ori %or3A_243, %eq3A_154 : i1
          %convert_element_type3A_245 = arith.extui %or3A_244 : i1 to i32
          %cond3A_246 = arith.constant 0 : i32
          %cond3A_247 = arith.cmpi ne, %convert_element_type3A_245, %cond3A_246 : i32
          scf.if %cond3A_247 {
            "tpu.trace_start"() <{level = 10 : i32, message = "ep_copy_out"}> : () -> ()
            %rem3A_294 = arith.constant 2 : i32
            %rem3A_295 = arith.remui %while3A_145, %rem3A_294 : i32
            %mul3A_296 = arith.constant 128 : i32
            %mul3A_297 = arith.muli %mul3A_296, %add3A_155 : i32
            %dma_start3A_298 = arith.constant 0 : i32
            %dma_start3A_299 = arith.constant 0 : i32
            %dma_start3A_300 = tpu.memref_slice %run_scoped3A_18[%rem3A_295, %dma_start3A_298, %dma_start3A_299] : memref<2x128x64xf32, #tpu.memory_space<vmem>> -> memref<1x128x64xf32, #tpu.memory_space<vmem>>
            %dma_start3A_301 = tpu.memref_squeeze %dma_start3A_300 : memref<1x128x64xf32, #tpu.memory_space<vmem>> -> memref<128x64xf32, #tpu.memory_space<vmem>>
            %dma_start3A_302 = arith.constant 0 : i32
            %dma_start3A_303 = tpu.memref_slice %arg4[%mul3A_297, %dma_start3A_302] : memref<640000x64xf32, #tpu.memory_space<hbm>> -> memref<128x64xf32, #tpu.memory_space<hbm>>
            %dma_start3A_304 = tpu.memref_slice %run_scoped3A_19[%rem3A_295] : memref<2x!tpu.dma_semaphore, #tpu.memory_space<semaphore_mem>> -> memref<1x!tpu.dma_semaphore, #tpu.memory_space<semaphore_mem>>
            %dma_start3A_305 = tpu.memref_squeeze %dma_start3A_304 : memref<1x!tpu.dma_semaphore, #tpu.memory_space<semaphore_mem>> -> memref<!tpu.dma_semaphore, #tpu.memory_space<semaphore_mem>>
            %dma_start3A_306 = arith.constant 0 : i32
            %dma_start3A_307 = tpu.memref_slice %arg4[%mul3A_297, %dma_start3A_306] : memref<640000x64xf32, #tpu.memory_space<hbm>> -> memref<128x64xf32, #tpu.memory_space<hbm>>
            %dma_start3A_308 = arith.constant 0 : i32
            %dma_start3A_309 = arith.constant 0 : i32
            %dma_start3A_310 = tpu.memref_slice %run_scoped3A_18[%rem3A_295, %dma_start3A_308, %dma_start3A_309] : memref<2x128x64xf32, #tpu.memory_space<vmem>> -> memref<1x128x64xf32, #tpu.memory_space<vmem>>
            %dma_start3A_311 = tpu.memref_squeeze %dma_start3A_310 : memref<1x128x64xf32, #tpu.memory_space<vmem>> -> memref<128x64xf32, #tpu.memory_space<vmem>>
            tpu.enqueue_dma source(%dma_start3A_311 : memref<128x64xf32, #tpu.memory_space<vmem>>) target(%dma_start3A_307 : memref<128x64xf32, #tpu.memory_space<hbm>>) target_semaphore(%dma_start3A_305 : memref<!tpu.dma_semaphore, #tpu.memory_space<semaphore_mem>>)
            "tpu.trace_stop"() : () -> ()
          } else {
          }
          %and3A_248 = arith.constant true
          %and3A_249 = arith.andi %or3A_244, %and3A_248 : i1
          %add3A_250 = arith.constant 1 : i32
          %add3A_251 = arith.addi %while3A_145, %add3A_250 : i32
          %select_n3A_252 = arith.select %and3A_249, %add3A_251, %while3A_145 : i32
          %ne3A_253 = arith.cmpi ne, %add3A_155, %add3A_165 : i32
          %or3A_254 = arith.constant false
          %or3A_255 = arith.ori %or3A_254, %ne3A_253 : i1
          %not3A_256 = arith.constant true
          %not3A_257 = arith.xori %eq3A_151, %not3A_256 : i1
          %and3A_258 = arith.andi %or3A_255, %not3A_257 : i1
          %convert_element_type3A_259 = arith.extui %and3A_258 : i1 to i32
          %cond3A_260 = arith.constant 0 : i32
          %cond3A_261 = arith.cmpi ne, %convert_element_type3A_259, %cond3A_260 : i32
          scf.if %cond3A_261 {
          } else {
          }
          %and3A_262 = arith.constant false
          %and3A_263 = arith.andi %and3A_258, %and3A_262 : i1
          %ne3A_264 = arith.cmpi ne, %add3A_155, %add3A_165 : i32
          %or3A_265 = arith.constant false
          %or3A_266 = arith.ori %or3A_265, %ne3A_264 : i1
          %or3A_267 = arith.constant false
          %or3A_268 = arith.ori %or3A_266, %or3A_267 : i1
          %not3A_269 = arith.constant true
          %not3A_270 = arith.xori %eq3A_151, %not3A_269 : i1
          %and3A_271 = arith.andi %or3A_268, %not3A_270 : i1
          %convert_element_type3A_272 = arith.extui %and3A_271 : i1 to i32
          %cond3A_273 = arith.constant 0 : i32
          %cond3A_274 = arith.cmpi ne, %convert_element_type3A_272, %cond3A_273 : i32
          scf.if %cond3A_274 {
            "tpu.trace_start"() <{level = 10 : i32, message = "ep_wait_out"}> : () -> ()
            %rem3A_294 = arith.constant 2 : i32
            %rem3A_295 = arith.remui %while3A_146, %rem3A_294 : i32
            %mul3A_296 = arith.constant 128 : i32
            %mul3A_297 = arith.muli %mul3A_296, %add3A_165 : i32
            %dma_wait3A = arith.constant 0 : i32
            %dma_wait3A_298 = arith.constant 0 : i32
            %dma_wait3A_299 = tpu.memref_slice %run_scoped3A_18[%rem3A_295, %dma_wait3A, %dma_wait3A_298] : memref<2x128x64xf32, #tpu.memory_space<vmem>> -> memref<1x128x64xf32, #tpu.memory_space<vmem>>
            %dma_wait3A_300 = tpu.memref_squeeze %dma_wait3A_299 : memref<1x128x64xf32, #tpu.memory_space<vmem>> -> memref<128x64xf32, #tpu.memory_space<vmem>>
            %dma_wait3A_301 = arith.constant 0 : i32
            %dma_wait3A_302 = tpu.memref_slice %arg4[%mul3A_297, %dma_wait3A_301] : memref<640000x64xf32, #tpu.memory_space<hbm>> -> memref<128x64xf32, #tpu.memory_space<hbm>>
            %dma_wait3A_303 = tpu.memref_slice %run_scoped3A_19[%rem3A_295] : memref<2x!tpu.dma_semaphore, #tpu.memory_space<semaphore_mem>> -> memref<1x!tpu.dma_semaphore, #tpu.memory_space<semaphore_mem>>
            %dma_wait3A_304 = tpu.memref_squeeze %dma_wait3A_303 : memref<1x!tpu.dma_semaphore, #tpu.memory_space<semaphore_mem>> -> memref<!tpu.dma_semaphore, #tpu.memory_space<semaphore_mem>>
            %dma_wait3A_305 = arith.constant 0 : i32
            %dma_wait3A_306 = tpu.memref_slice %arg4[%mul3A_297, %dma_wait3A_305] : memref<640000x64xf32, #tpu.memory_space<hbm>> -> memref<128x64xf32, #tpu.memory_space<hbm>>
            %dma_wait3A_307 = arith.constant 0 : i32
            %dma_wait3A_308 = arith.constant 0 : i32
            %dma_wait3A_309 = tpu.memref_slice %run_scoped3A_18[%rem3A_295, %dma_wait3A_307, %dma_wait3A_308] : memref<2x128x64xf32, #tpu.memory_space<vmem>> -> memref<1x128x64xf32, #tpu.memory_space<vmem>>
            %dma_wait3A_310 = tpu.memref_squeeze %dma_wait3A_309 : memref<1x128x64xf32, #tpu.memory_space<vmem>> -> memref<128x64xf32, #tpu.memory_space<vmem>>
            tpu.wait_dma2 semaphore(%dma_wait3A_304 : memref<!tpu.dma_semaphore, #tpu.memory_space<semaphore_mem>>) src(%dma_wait3A_310 : memref<128x64xf32, #tpu.memory_space<vmem>>) dst(%dma_wait3A_306 : memref<128x64xf32, #tpu.memory_space<hbm>>)
            "tpu.trace_stop"() : () -> ()
          } else {
          }
          %and3A_275 = arith.constant true
          %and3A_276 = arith.andi %and3A_271, %and3A_275 : i1
          %add3A_277 = arith.constant 1 : i32
          %add3A_278 = arith.addi %while3A_146, %add3A_277 : i32
          %select_n3A_279 = arith.select %and3A_276, %add3A_278, %while3A_146 : i32
          %ne3A_280 = arith.cmpi ne, %add3A_155, %add3A_173 : i32
          %or3A_281 = arith.constant false
          %or3A_282 = arith.ori %or3A_281, %ne3A_280 : i1
          %or3A_283 = arith.ori %or3A_282, %eq3A_154 : i1
          %add3A_284 = arith.constant 1 : i32
          %add3A_285 = arith.addi %while3A_144, %add3A_284 : i32
          %select_n3A_286 = arith.select %or3A_283, %add3A_285, %while3A_144 : i32
          %add3A_287 = arith.constant 1 : i32
          %add3A_288 = arith.addi %while3A_147, %add3A_287 : i32
          %select_n3A_289 = arith.constant true
          %select_n3A_290 = arith.select %select_n3A_289, %add3A_288, %while3A_147 : i32
          %eq3A_291 = arith.cmpi eq, %select_n3A_290, %select_n3A : i32
          %select_n3A_292 = arith.constant 0 : i32
          %select_n3A_293 = arith.select %eq3A_291, %select_n3A_292, %select_n3A_290 : i32
          scf.yield %select_n3A_195, %select_n3A_286, %select_n3A_252, %select_n3A_279, %select_n3A_293 : i32, i32, i32, i32, i32
        }
        %while3A_89 = arith.constant 1 : i32
        %while3A_90:5 = scf.for %while3A_142 = %while3A_86 to %while3A_82 step %while3A_89 iter_args(%while3A_143 = %while3A_88#0, %while3A_144 = %while3A_88#1, %while3A_145 = %while3A_88#2, %while3A_146 = %while3A_88#3, %while3A_147 = %while3A_88#4) -> (i32, i32, i32, i32, i32)  : i32 {
          %mul3A_148 = arith.constant 1 : i32
          %mul3A_149 = arith.muli %mul3A_148, %select_n3A : i32
          %eq3A_150 = arith.constant 0 : i32
          %eq3A_151 = arith.cmpi eq, %while3A_142, %eq3A_150 : i32
          %sub3A_152 = arith.constant 1 : i32
          %sub3A_153 = arith.subi %mul3A_149, %sub3A_152 : i32
          %eq3A_154 = arith.cmpi eq, %while3A_142, %sub3A_153 : i32
          %add3A_155 = arith.addi %while3A_147, %select_n3A_14 : i32
          %sub3A_156 = arith.constant 1 : i32
          %sub3A_157 = arith.subi %while3A_147, %sub3A_156 : i32
          %select_n3A_158 = arith.constant true
          %select_n3A_159 = arith.select %select_n3A_158, %sub3A_157, %while3A_147 : i32
          %eq3A_160 = arith.constant -1 : i32
          %eq3A_161 = arith.cmpi eq, %select_n3A_159, %eq3A_160 : i32
          %sub3A_162 = arith.constant 1 : i32
          %sub3A_163 = arith.subi %select_n3A, %sub3A_162 : i32
          %select_n3A_164 = arith.select %eq3A_161, %sub3A_163, %select_n3A_159 : i32
          %add3A_165 = arith.addi %select_n3A_164, %select_n3A_14 : i32
          %add3A_166 = arith.constant 1 : i32
          %add3A_167 = arith.addi %while3A_147, %add3A_166 : i32
          %select_n3A_168 = arith.constant true
          %select_n3A_169 = arith.select %select_n3A_168, %add3A_167, %while3A_147 : i32
          %eq3A_170 = arith.cmpi eq, %select_n3A_169, %select_n3A : i32
          %select_n3A_171 = arith.constant 0 : i32
          %select_n3A_172 = arith.select %eq3A_170, %select_n3A_171, %select_n3A_169 : i32
          %add3A_173 = arith.addi %select_n3A_172, %select_n3A_14 : i32
          %add3A_174 = arith.constant 1 : i32
          %add3A_175 = arith.addi %select_n3A_172, %add3A_174 : i32
          %select_n3A_176 = arith.constant true
          %select_n3A_177 = arith.select %select_n3A_176, %add3A_175, %select_n3A_172 : i32
          %eq3A_178 = arith.cmpi eq, %select_n3A_177, %select_n3A : i32
          %select_n3A_179 = arith.constant 0 : i32
          %select_n3A_180 = arith.select %eq3A_178, %select_n3A_179, %select_n3A_177 : i32
          %add3A_181 = arith.addi %select_n3A_180, %select_n3A_14 : i32
          %ne3A = arith.cmpi ne, %add3A_155, %add3A_173 : i32
          %or3A = arith.constant false
          %or3A_182 = arith.ori %or3A, %ne3A : i1
          %sub3A_183 = arith.constant 2 : i32
          %sub3A_184 = arith.subi %mul3A_149, %sub3A_183 : i32
          %add3A_185 = arith.constant 1 : i32
          %add3A_186 = arith.addi %sub3A_184, %add3A_185 : i32
          %ge3A = arith.cmpi sge, %while3A_142, %add3A_186 : i32
          %not3A = arith.constant true
          %not3A_187 = arith.xori %ge3A, %not3A : i1
          %and3A = arith.andi %or3A_182, %not3A_187 : i1
          %convert_element_type3A_188 = arith.extui %and3A : i1 to i32
          %cond3A_189 = arith.constant 0 : i32
          %cond3A_190 = arith.cmpi ne, %convert_element_type3A_188, %cond3A_189 : i32
          scf.if %cond3A_190 {
            "tpu.trace_start"() <{level = 10 : i32, message = "ep_copy_in"}> : () -> ()
            %rem3A_294 = arith.constant 2 : i32
            %rem3A_295 = arith.remui %while3A_143, %rem3A_294 : i32
            %mul3A_296 = arith.constant 128 : i32
            %mul3A_297 = arith.muli %mul3A_296, %add3A_173 : i32
            %dma_start3A_298 = arith.constant 0 : i32
            %dma_start3A_299 = arith.constant 0 : i32
            %dma_start3A_300 = tpu.memref_slice %run_scoped3A[%rem3A_295, %dma_start3A_298, %dma_start3A_299] : memref<2x1x128xi32, #tpu.memory_space<vmem>> -> memref<1x1x128xi32, #tpu.memory_space<vmem>>
            %dma_start3A_301 = tpu.memref_squeeze %dma_start3A_300 : memref<1x1x128xi32, #tpu.memory_space<vmem>> -> memref<1x128xi32, #tpu.memory_space<vmem>>
            %dma_start3A_302 = arith.constant 0 : i32
            %dma_start3A_303 = tpu.memref_slice %arg3[%dma_start3A_302, %mul3A_297] : memref<1x640000xi32, #tpu.memory_space<hbm>> -> memref<1x128xi32, #tpu.memory_space<hbm>>
            %dma_start3A_304 = tpu.memref_slice %run_scoped3A_17[%rem3A_295] : memref<2x!tpu.dma_semaphore, #tpu.memory_space<semaphore_mem>> -> memref<1x!tpu.dma_semaphore, #tpu.memory_space<semaphore_mem>>
            %dma_start3A_305 = tpu.memref_squeeze %dma_start3A_304 : memref<1x!tpu.dma_semaphore, #tpu.memory_space<semaphore_mem>> -> memref<!tpu.dma_semaphore, #tpu.memory_space<semaphore_mem>>
            %dma_start3A_306 = arith.constant 0 : i32
            %dma_start3A_307 = arith.constant 0 : i32
            %dma_start3A_308 = tpu.memref_slice %run_scoped3A[%rem3A_295, %dma_start3A_306, %dma_start3A_307] : memref<2x1x128xi32, #tpu.memory_space<vmem>> -> memref<1x1x128xi32, #tpu.memory_space<vmem>>
            %dma_start3A_309 = tpu.memref_squeeze %dma_start3A_308 : memref<1x1x128xi32, #tpu.memory_space<vmem>> -> memref<1x128xi32, #tpu.memory_space<vmem>>
            %dma_start3A_310 = arith.constant 0 : i32
            %dma_start3A_311 = tpu.memref_slice %arg3[%dma_start3A_310, %mul3A_297] : memref<1x640000xi32, #tpu.memory_space<hbm>> -> memref<1x128xi32, #tpu.memory_space<hbm>>
            tpu.enqueue_dma source(%dma_start3A_311 : memref<1x128xi32, #tpu.memory_space<hbm>>) target(%dma_start3A_309 : memref<1x128xi32, #tpu.memory_space<vmem>>) target_semaphore(%dma_start3A_305 : memref<!tpu.dma_semaphore, #tpu.memory_space<semaphore_mem>>)
            "tpu.trace_stop"() : () -> ()
          } else {
          }
          %and3A_191 = arith.constant true
          %and3A_192 = arith.andi %and3A, %and3A_191 : i1
          %add3A_193 = arith.constant 1 : i32
          %add3A_194 = arith.addi %while3A_143, %add3A_193 : i32
          %select_n3A_195 = arith.select %and3A_192, %add3A_194, %while3A_143 : i32
          %ne3A_196 = arith.cmpi ne, %add3A_155, %add3A_173 : i32
          %or3A_197 = arith.constant false
          %or3A_198 = arith.ori %or3A_197, %ne3A_196 : i1
          %or3A_199 = arith.constant false
          %or3A_200 = arith.ori %or3A_198, %or3A_199 : i1
          %sub3A_201 = arith.constant 2 : i32
          %sub3A_202 = arith.subi %mul3A_149, %sub3A_201 : i32
          %add3A_203 = arith.constant 1 : i32
          %add3A_204 = arith.addi %sub3A_202, %add3A_203 : i32
          %ge3A_205 = arith.cmpi sge, %while3A_142, %add3A_204 : i32
          %not3A_206 = arith.constant true
          %not3A_207 = arith.xori %ge3A_205, %not3A_206 : i1
          %and3A_208 = arith.andi %or3A_200, %not3A_207 : i1
          %ne3A_209 = arith.cmpi ne, %add3A_155, %add3A_165 : i32
          %or3A_210 = arith.constant false
          %or3A_211 = arith.ori %or3A_210, %ne3A_209 : i1
          %or3A_212 = arith.ori %or3A_211, %eq3A_151 : i1
          %convert_element_type3A_213 = arith.extui %or3A_212 : i1 to i32
          %cond3A_214 = arith.constant 0 : i32
          %cond3A_215 = arith.cmpi ne, %convert_element_type3A_213, %cond3A_214 : i32
          scf.if %cond3A_215 {
            "tpu.trace_start"() <{level = 10 : i32, message = "ep_wait_in"}> : () -> ()
            %mul3A_294 = arith.constant 128 : i32
            %mul3A_295 = arith.muli %mul3A_294, %add3A_155 : i32
            %rem3A_296 = arith.constant 2 : i32
            %rem3A_297 = arith.remui %while3A_144, %rem3A_296 : i32
            %dma_wait3A = arith.constant 0 : i32
            %dma_wait3A_298 = arith.constant 0 : i32
            %dma_wait3A_299 = tpu.memref_slice %run_scoped3A[%rem3A_297, %dma_wait3A, %dma_wait3A_298] : memref<2x1x128xi32, #tpu.memory_space<vmem>> -> memref<1x1x128xi32, #tpu.memory_space<vmem>>
            %dma_wait3A_300 = tpu.memref_squeeze %dma_wait3A_299 : memref<1x1x128xi32, #tpu.memory_space<vmem>> -> memref<1x128xi32, #tpu.memory_space<vmem>>
            %dma_wait3A_301 = arith.constant 0 : i32
            %dma_wait3A_302 = tpu.memref_slice %arg3[%dma_wait3A_301, %mul3A_295] : memref<1x640000xi32, #tpu.memory_space<hbm>> -> memref<1x128xi32, #tpu.memory_space<hbm>>
            %dma_wait3A_303 = tpu.memref_slice %run_scoped3A_17[%rem3A_297] : memref<2x!tpu.dma_semaphore, #tpu.memory_space<semaphore_mem>> -> memref<1x!tpu.dma_semaphore, #tpu.memory_space<semaphore_mem>>
            %dma_wait3A_304 = tpu.memref_squeeze %dma_wait3A_303 : memref<1x!tpu.dma_semaphore, #tpu.memory_space<semaphore_mem>> -> memref<!tpu.dma_semaphore, #tpu.memory_space<semaphore_mem>>
            %dma_wait3A_305 = arith.constant 0 : i32
            %dma_wait3A_306 = arith.constant 0 : i32
            %dma_wait3A_307 = tpu.memref_slice %run_scoped3A[%rem3A_297, %dma_wait3A_305, %dma_wait3A_306] : memref<2x1x128xi32, #tpu.memory_space<vmem>> -> memref<1x1x128xi32, #tpu.memory_space<vmem>>
            %dma_wait3A_308 = tpu.memref_squeeze %dma_wait3A_307 : memref<1x1x128xi32, #tpu.memory_space<vmem>> -> memref<1x128xi32, #tpu.memory_space<vmem>>
            %dma_wait3A_309 = arith.constant 0 : i32
            %dma_wait3A_310 = tpu.memref_slice %arg3[%dma_wait3A_309, %mul3A_295] : memref<1x640000xi32, #tpu.memory_space<hbm>> -> memref<1x128xi32, #tpu.memory_space<hbm>>
            tpu.wait_dma2 semaphore(%dma_wait3A_304 : memref<!tpu.dma_semaphore, #tpu.memory_space<semaphore_mem>>) src(%dma_wait3A_310 : memref<1x128xi32, #tpu.memory_space<hbm>>) dst(%dma_wait3A_308 : memref<1x128xi32, #tpu.memory_space<vmem>>)
            "tpu.trace_stop"() : () -> ()
          } else {
          }
          %ne3A_216 = arith.cmpi ne, %add3A_155, %add3A_165 : i32
          %or3A_217 = arith.constant false
          %or3A_218 = arith.ori %or3A_217, %ne3A_216 : i1
          %or3A_219 = arith.constant false
          %or3A_220 = arith.ori %or3A_218, %or3A_219 : i1
          %or3A_221 = arith.ori %or3A_220, %eq3A_151 : i1
          %convert_element_type3A_222 = arith.extui %or3A_221 : i1 to i32
          %cond3A_223 = arith.constant 0 : i32
          %cond3A_224 = arith.cmpi ne, %convert_element_type3A_222, %cond3A_223 : i32
          scf.if %cond3A_224 {
          } else {
          }
          %rem3A_225 = arith.constant 2 : i32
          %rem3A_226 = arith.remui %while3A_144, %rem3A_225 : i32
          %rem3A_227 = arith.constant 2 : i32
          %rem3A_228 = arith.remui %while3A_145, %rem3A_227 : i32
          %run_scoped3A_229 = arith.constant 0 : i32
          "tpu.trace_start"() <{level = 10 : i32, message = "ep_run_kernel"}> : () -> ()
          "tpu.region"() ({
            %run_scoped3A_294 = tpu.sem_alloc : memref<!tpu.dma_semaphore, #tpu.memory_space<semaphore_mem>>
            %dma_start3A_295 = arith.constant 0 : i32
            %dma_start3A_296 = arith.constant 0 : i32
            %dma_start3A_297 = tpu.memref_slice %run_scoped3A_18[%rem3A_228, %dma_start3A_295, %dma_start3A_296] : memref<2x128x64xf32, #tpu.memory_space<vmem>> -> memref<1x128x64xf32, #tpu.memory_space<vmem>>
            %dma_start3A_298 = tpu.memref_squeeze %dma_start3A_297 : memref<1x128x64xf32, #tpu.memory_space<vmem>> -> memref<128x64xf32, #tpu.memory_space<vmem>>
            %dma_start3A_299 = arith.constant 0 : i32
            %dma_start3A_300 = arith.constant 0 : i32
            %dma_start3A_301 = tpu.memref_slice %run_scoped3A[%rem3A_226, %dma_start3A_299, %dma_start3A_300] : memref<2x1x128xi32, #tpu.memory_space<vmem>> -> memref<1x1x128xi32, #tpu.memory_space<vmem>>
            %dma_start3A_302 = tpu.memref_squeeze %dma_start3A_301 : memref<1x1x128xi32, #tpu.memory_space<vmem>> -> memref<1x128xi32, #tpu.memory_space<vmem>>
            %dma_start3A_303 = arith.constant 0 : i32
            %dma_start3A_304 = tpu.memref_slice %dma_start3A_302[%run_scoped3A_229, %dma_start3A_303] : memref<1x128xi32, #tpu.memory_space<vmem>> -> memref<1x128xi32, #tpu.memory_space<vmem>>
            %dma_start3A_305 = tpu.memref_squeeze %dma_start3A_304 : memref<1x128xi32, #tpu.memory_space<vmem>> -> memref<128xi32, #tpu.memory_space<vmem>>
            %dma_start3A_306 = arith.constant 0 : i32
            %dma_start3A_307 = arith.constant 0 : i32
            %dma_start3A_308 = tpu.memref_slice %arg2[%dma_start3A_306, %dma_start3A_307] : memref<12800x64xf32, #tpu.memory_space<hbm>> -> memref<12800x64xf32, #tpu.memory_space<hbm>>
            tpu.enqueue_indirect_dma source(%dma_start3A_308 : memref<12800x64xf32, #tpu.memory_space<hbm>>) target(%dma_start3A_298 : memref<128x64xf32, #tpu.memory_space<vmem>>) offsets(%dma_start3A_305 : memref<128xi32, #tpu.memory_space<vmem>>) semaphore(%run_scoped3A_294 : memref<!tpu.dma_semaphore, #tpu.memory_space<semaphore_mem>>)
            %dma_wait3A = arith.constant 0 : i32
            %dma_wait3A_309 = arith.constant 0 : i32
            %dma_wait3A_310 = tpu.memref_slice %run_scoped3A_18[%rem3A_228, %dma_wait3A, %dma_wait3A_309] : memref<2x128x64xf32, #tpu.memory_space<vmem>> -> memref<1x128x64xf32, #tpu.memory_space<vmem>>
            %dma_wait3A_311 = tpu.memref_squeeze %dma_wait3A_310 : memref<1x128x64xf32, #tpu.memory_space<vmem>> -> memref<128x64xf32, #tpu.memory_space<vmem>>
            %dma_wait3A_312 = arith.constant 0 : i32
            %dma_wait3A_313 = arith.constant 0 : i32
            %dma_wait3A_314 = tpu.memref_slice %run_scoped3A[%rem3A_226, %dma_wait3A_312, %dma_wait3A_313] : memref<2x1x128xi32, #tpu.memory_space<vmem>> -> memref<1x1x128xi32, #tpu.memory_space<vmem>>
            %dma_wait3A_315 = tpu.memref_squeeze %dma_wait3A_314 : memref<1x1x128xi32, #tpu.memory_space<vmem>> -> memref<1x128xi32, #tpu.memory_space<vmem>>
            %dma_wait3A_316 = arith.constant 0 : i32
            %dma_wait3A_317 = tpu.memref_slice %dma_wait3A_315[%run_scoped3A_229, %dma_wait3A_316] : memref<1x128xi32, #tpu.memory_space<vmem>> -> memref<1x128xi32, #tpu.memory_space<vmem>>
            %dma_wait3A_318 = tpu.memref_squeeze %dma_wait3A_317 : memref<1x128xi32, #tpu.memory_space<vmem>> -> memref<128xi32, #tpu.memory_space<vmem>>
            %dma_wait3A_319 = arith.constant 0 : i32
            %dma_wait3A_320 = arith.constant 0 : i32
            %dma_wait3A_321 = tpu.memref_slice %arg2[%dma_wait3A_319, %dma_wait3A_320] : memref<12800x64xf32, #tpu.memory_space<hbm>> -> memref<12800x64xf32, #tpu.memory_space<hbm>>
            tpu.wait_indirect_dma semaphore(%run_scoped3A_294 : memref<!tpu.dma_semaphore, #tpu.memory_space<semaphore_mem>>) src(%dma_wait3A_321 : memref<12800x64xf32, #tpu.memory_space<hbm>>) dst(%dma_wait3A_311 : memref<128x64xf32, #tpu.memory_space<vmem>>)
            tpu.yield
          }) : () -> ()
          "tpu.trace_stop"() : () -> ()
          %ne3A_230 = arith.cmpi ne, %add3A_155, %add3A_173 : i32
          %or3A_231 = arith.constant false
          %or3A_232 = arith.ori %or3A_231, %ne3A_230 : i1
          %or3A_233 = arith.ori %or3A_232, %eq3A_154 : i1
          %convert_element_type3A_234 = arith.extui %or3A_233 : i1 to i32
          %cond3A_235 = arith.constant 0 : i32
          %cond3A_236 = arith.cmpi ne, %convert_element_type3A_234, %cond3A_235 : i32
          scf.if %cond3A_236 {
          } else {
          }
          %and3A_237 = arith.constant false
          %and3A_238 = arith.andi %or3A_233, %and3A_237 : i1
          %ne3A_239 = arith.cmpi ne, %add3A_155, %add3A_173 : i32
          %or3A_240 = arith.constant false
          %or3A_241 = arith.ori %or3A_240, %ne3A_239 : i1
          %or3A_242 = arith.constant false
          %or3A_243 = arith.ori %or3A_241, %or3A_242 : i1
          %or3A_244 = arith.ori %or3A_243, %eq3A_154 : i1
          %convert_element_type3A_245 = arith.extui %or3A_244 : i1 to i32
          %cond3A_246 = arith.constant 0 : i32
          %cond3A_247 = arith.cmpi ne, %convert_element_type3A_245, %cond3A_246 : i32
          scf.if %cond3A_247 {
            "tpu.trace_start"() <{level = 10 : i32, message = "ep_copy_out"}> : () -> ()
            %rem3A_294 = arith.constant 2 : i32
            %rem3A_295 = arith.remui %while3A_145, %rem3A_294 : i32
            %mul3A_296 = arith.constant 128 : i32
            %mul3A_297 = arith.muli %mul3A_296, %add3A_155 : i32
            %dma_start3A_298 = arith.constant 0 : i32
            %dma_start3A_299 = arith.constant 0 : i32
            %dma_start3A_300 = tpu.memref_slice %run_scoped3A_18[%rem3A_295, %dma_start3A_298, %dma_start3A_299] : memref<2x128x64xf32, #tpu.memory_space<vmem>> -> memref<1x128x64xf32, #tpu.memory_space<vmem>>
            %dma_start3A_301 = tpu.memref_squeeze %dma_start3A_300 : memref<1x128x64xf32, #tpu.memory_space<vmem>> -> memref<128x64xf32, #tpu.memory_space<vmem>>
            %dma_start3A_302 = arith.constant 0 : i32
            %dma_start3A_303 = tpu.memref_slice %arg4[%mul3A_297, %dma_start3A_302] : memref<640000x64xf32, #tpu.memory_space<hbm>> -> memref<128x64xf32, #tpu.memory_space<hbm>>
            %dma_start3A_304 = tpu.memref_slice %run_scoped3A_19[%rem3A_295] : memref<2x!tpu.dma_semaphore, #tpu.memory_space<semaphore_mem>> -> memref<1x!tpu.dma_semaphore, #tpu.memory_space<semaphore_mem>>
            %dma_start3A_305 = tpu.memref_squeeze %dma_start3A_304 : memref<1x!tpu.dma_semaphore, #tpu.memory_space<semaphore_mem>> -> memref<!tpu.dma_semaphore, #tpu.memory_space<semaphore_mem>>
            %dma_start3A_306 = arith.constant 0 : i32
            %dma_start3A_307 = tpu.memref_slice %arg4[%mul3A_297, %dma_start3A_306] : memref<640000x64xf32, #tpu.memory_space<hbm>> -> memref<128x64xf32, #tpu.memory_space<hbm>>
            %dma_start3A_308 = arith.constant 0 : i32
            %dma_start3A_309 = arith.constant 0 : i32
            %dma_start3A_310 = tpu.memref_slice %run_scoped3A_18[%rem3A_295, %dma_start3A_308, %dma_start3A_309] : memref<2x128x64xf32, #tpu.memory_space<vmem>> -> memref<1x128x64xf32, #tpu.memory_space<vmem>>
            %dma_start3A_311 = tpu.memref_squeeze %dma_start3A_310 : memref<1x128x64xf32, #tpu.memory_space<vmem>> -> memref<128x64xf32, #tpu.memory_space<vmem>>
            tpu.enqueue_dma source(%dma_start3A_311 : memref<128x64xf32, #tpu.memory_space<vmem>>) target(%dma_start3A_307 : memref<128x64xf32, #tpu.memory_space<hbm>>) target_semaphore(%dma_start3A_305 : memref<!tpu.dma_semaphore, #tpu.memory_space<semaphore_mem>>)
            "tpu.trace_stop"() : () -> ()
          } else {
          }
          %and3A_248 = arith.constant true
          %and3A_249 = arith.andi %or3A_244, %and3A_248 : i1
          %add3A_250 = arith.constant 1 : i32
          %add3A_251 = arith.addi %while3A_145, %add3A_250 : i32
          %select_n3A_252 = arith.select %and3A_249, %add3A_251, %while3A_145 : i32
          %ne3A_253 = arith.cmpi ne, %add3A_155, %add3A_165 : i32
          %or3A_254 = arith.constant false
          %or3A_255 = arith.ori %or3A_254, %ne3A_253 : i1
          %not3A_256 = arith.constant true
          %not3A_257 = arith.xori %eq3A_151, %not3A_256 : i1
          %and3A_258 = arith.andi %or3A_255, %not3A_257 : i1
          %convert_element_type3A_259 = arith.extui %and3A_258 : i1 to i32
          %cond3A_260 = arith.constant 0 : i32
          %cond3A_261 = arith.cmpi ne, %convert_element_type3A_259, %cond3A_260 : i32
          scf.if %cond3A_261 {
          } else {
          }
          %and3A_262 = arith.constant false
          %and3A_263 = arith.andi %and3A_258, %and3A_262 : i1
          %ne3A_264 = arith.cmpi ne, %add3A_155, %add3A_165 : i32
          %or3A_265 = arith.constant false
          %or3A_266 = arith.ori %or3A_265, %ne3A_264 : i1
          %or3A_267 = arith.constant false
          %or3A_268 = arith.ori %or3A_266, %or3A_267 : i1
          %not3A_269 = arith.constant true
          %not3A_270 = arith.xori %eq3A_151, %not3A_269 : i1
          %and3A_271 = arith.andi %or3A_268, %not3A_270 : i1
          %convert_element_type3A_272 = arith.extui %and3A_271 : i1 to i32
          %cond3A_273 = arith.constant 0 : i32
          %cond3A_274 = arith.cmpi ne, %convert_element_type3A_272, %cond3A_273 : i32
          scf.if %cond3A_274 {
            "tpu.trace_start"() <{level = 10 : i32, message = "ep_wait_out"}> : () -> ()
            %rem3A_294 = arith.constant 2 : i32
            %rem3A_295 = arith.remui %while3A_146, %rem3A_294 : i32
            %mul3A_296 = arith.constant 128 : i32
            %mul3A_297 = arith.muli %mul3A_296, %add3A_165 : i32
            %dma_wait3A = arith.constant 0 : i32
            %dma_wait3A_298 = arith.constant 0 : i32
            %dma_wait3A_299 = tpu.memref_slice %run_scoped3A_18[%rem3A_295, %dma_wait3A, %dma_wait3A_298] : memref<2x128x64xf32, #tpu.memory_space<vmem>> -> memref<1x128x64xf32, #tpu.memory_space<vmem>>
            %dma_wait3A_300 = tpu.memref_squeeze %dma_wait3A_299 : memref<1x128x64xf32, #tpu.memory_space<vmem>> -> memref<128x64xf32, #tpu.memory_space<vmem>>
            %dma_wait3A_301 = arith.constant 0 : i32
            %dma_wait3A_302 = tpu.memref_slice %arg4[%mul3A_297, %dma_wait3A_301] : memref<640000x64xf32, #tpu.memory_space<hbm>> -> memref<128x64xf32, #tpu.memory_space<hbm>>
            %dma_wait3A_303 = tpu.memref_slice %run_scoped3A_19[%rem3A_295] : memref<2x!tpu.dma_semaphore, #tpu.memory_space<semaphore_mem>> -> memref<1x!tpu.dma_semaphore, #tpu.memory_space<semaphore_mem>>
            %dma_wait3A_304 = tpu.memref_squeeze %dma_wait3A_303 : memref<1x!tpu.dma_semaphore, #tpu.memory_space<semaphore_mem>> -> memref<!tpu.dma_semaphore, #tpu.memory_space<semaphore_mem>>
            %dma_wait3A_305 = arith.constant 0 : i32
            %dma_wait3A_306 = tpu.memref_slice %arg4[%mul3A_297, %dma_wait3A_305] : memref<640000x64xf32, #tpu.memory_space<hbm>> -> memref<128x64xf32, #tpu.memory_space<hbm>>
            %dma_wait3A_307 = arith.constant 0 : i32
            %dma_wait3A_308 = arith.constant 0 : i32
            %dma_wait3A_309 = tpu.memref_slice %run_scoped3A_18[%rem3A_295, %dma_wait3A_307, %dma_wait3A_308] : memref<2x128x64xf32, #tpu.memory_space<vmem>> -> memref<1x128x64xf32, #tpu.memory_space<vmem>>
            %dma_wait3A_310 = tpu.memref_squeeze %dma_wait3A_309 : memref<1x128x64xf32, #tpu.memory_space<vmem>> -> memref<128x64xf32, #tpu.memory_space<vmem>>
            tpu.wait_dma2 semaphore(%dma_wait3A_304 : memref<!tpu.dma_semaphore, #tpu.memory_space<semaphore_mem>>) src(%dma_wait3A_310 : memref<128x64xf32, #tpu.memory_space<vmem>>) dst(%dma_wait3A_306 : memref<128x64xf32, #tpu.memory_space<hbm>>)
            "tpu.trace_stop"() : () -> ()
          } else {
          }
          %and3A_275 = arith.constant true
          %and3A_276 = arith.andi %and3A_271, %and3A_275 : i1
          %add3A_277 = arith.constant 1 : i32
          %add3A_278 = arith.addi %while3A_146, %add3A_277 : i32
          %select_n3A_279 = arith.select %and3A_276, %add3A_278, %while3A_146 : i32
          %ne3A_280 = arith.cmpi ne, %add3A_155, %add3A_173 : i32
          %or3A_281 = arith.constant false
          %or3A_282 = arith.ori %or3A_281, %ne3A_280 : i1
          %or3A_283 = arith.ori %or3A_282, %eq3A_154 : i1
          %add3A_284 = arith.constant 1 : i32
          %add3A_285 = arith.addi %while3A_144, %add3A_284 : i32
          %select_n3A_286 = arith.select %or3A_283, %add3A_285, %while3A_144 : i32
          %add3A_287 = arith.constant 1 : i32
          %add3A_288 = arith.addi %while3A_147, %add3A_287 : i32
          %select_n3A_289 = arith.constant true
          %select_n3A_290 = arith.select %select_n3A_289, %add3A_288, %while3A_147 : i32
          %eq3A_291 = arith.cmpi eq, %select_n3A_290, %select_n3A : i32
          %select_n3A_292 = arith.constant 0 : i32
          %select_n3A_293 = arith.select %eq3A_291, %select_n3A_292, %select_n3A_290 : i32
          scf.yield %select_n3A_195, %select_n3A_286, %select_n3A_252, %select_n3A_279, %select_n3A_293 : i32, i32, i32, i32, i32
        }
        %sub3A_91 = arith.constant 1 : i32
        %sub3A_92 = arith.subi %while3A_90#4, %sub3A_91 : i32
        %select_n3A_93 = arith.constant true
        %select_n3A_94 = arith.select %select_n3A_93, %sub3A_92, %while3A_90#4 : i32
        %eq3A_95 = arith.constant -1 : i32
        %eq3A_96 = arith.cmpi eq, %select_n3A_94, %eq3A_95 : i32
        %sub3A_97 = arith.constant 1 : i32
        %sub3A_98 = arith.subi %select_n3A, %sub3A_97 : i32
        %select_n3A_99 = arith.select %eq3A_96, %sub3A_98, %select_n3A_94 : i32
        %sub3A_100 = arith.constant 1 : i32
        %sub3A_101 = arith.subi %mul3A_16, %sub3A_100 : i32
        %mul3A_102 = arith.constant 1 : i32
        %mul3A_103 = arith.muli %mul3A_102, %select_n3A : i32
        %eq3A_104 = arith.constant 0 : i32
        %eq3A_105 = arith.cmpi eq, %sub3A_101, %eq3A_104 : i32
        %sub3A_106 = arith.constant 1 : i32
        %sub3A_107 = arith.subi %mul3A_103, %sub3A_106 : i32
        %eq3A_108 = arith.cmpi eq, %sub3A_101, %sub3A_107 : i32
        %add3A_109 = arith.addi %select_n3A_99, %select_n3A_14 : i32
        %sub3A_110 = arith.constant 1 : i32
        %sub3A_111 = arith.subi %select_n3A_99, %sub3A_110 : i32
        %select_n3A_112 = arith.constant true
        %select_n3A_113 = arith.select %select_n3A_112, %sub3A_111, %select_n3A_99 : i32
        %eq3A_114 = arith.constant -1 : i32
        %eq3A_115 = arith.cmpi eq, %select_n3A_113, %eq3A_114 : i32
        %sub3A_116 = arith.constant 1 : i32
        %sub3A_117 = arith.subi %select_n3A, %sub3A_116 : i32
        %select_n3A_118 = arith.select %eq3A_115, %sub3A_117, %select_n3A_113 : i32
        %add3A_119 = arith.addi %select_n3A_118, %select_n3A_14 : i32
        %add3A_120 = arith.constant 1 : i32
        %add3A_121 = arith.addi %select_n3A_99, %add3A_120 : i32
        %select_n3A_122 = arith.constant true
        %select_n3A_123 = arith.select %select_n3A_122, %add3A_121, %select_n3A_99 : i32
        %eq3A_124 = arith.cmpi eq, %select_n3A_123, %select_n3A : i32
        %select_n3A_125 = arith.constant 0 : i32
        %select_n3A_126 = arith.select %eq3A_124, %select_n3A_125, %select_n3A_123 : i32
        %add3A_127 = arith.addi %select_n3A_126, %select_n3A_14 : i32
        %add3A_128 = arith.constant 1 : i32
        %add3A_129 = arith.addi %select_n3A_126, %add3A_128 : i32
        %select_n3A_130 = arith.constant true
        %select_n3A_131 = arith.select %select_n3A_130, %add3A_129, %select_n3A_126 : i32
        %eq3A_132 = arith.cmpi eq, %select_n3A_131, %select_n3A : i32
        %select_n3A_133 = arith.constant 0 : i32
        %select_n3A_134 = arith.select %eq3A_132, %select_n3A_133, %select_n3A_131 : i32
        %add3A_135 = arith.addi %select_n3A_134, %select_n3A_14 : i32
        %convert_element_type3A_136 = arith.extui %eq3A_108 : i1 to i32
        %cond3A_137 = arith.constant 0 : i32
        %cond3A_138 = arith.cmpi ne, %convert_element_type3A_136, %cond3A_137 : i32
        scf.if %cond3A_138 {
        } else {
        }
        %convert_element_type3A_139 = arith.extui %eq3A_108 : i1 to i32
        %cond3A_140 = arith.constant 0 : i32
        %cond3A_141 = arith.cmpi ne, %convert_element_type3A_139, %cond3A_140 : i32
        scf.if %cond3A_141 {
          "tpu.trace_start"() <{level = 10 : i32, message = "ep_finalize"}> : () -> ()
          %rem3A_142 = arith.constant 2 : i32
          %rem3A_143 = arith.remui %while3A_90#3, %rem3A_142 : i32
          %mul3A_144 = arith.constant 128 : i32
          %mul3A_145 = arith.muli %mul3A_144, %add3A_109 : i32
          %dma_wait3A = arith.constant 0 : i32
          %dma_wait3A_146 = arith.constant 0 : i32
          %dma_wait3A_147 = tpu.memref_slice %run_scoped3A_18[%rem3A_143, %dma_wait3A, %dma_wait3A_146] : memref<2x128x64xf32, #tpu.memory_space<vmem>> -> memref<1x128x64xf32, #tpu.memory_space<vmem>>
          %dma_wait3A_148 = tpu.memref_squeeze %dma_wait3A_147 : memref<1x128x64xf32, #tpu.memory_space<vmem>> -> memref<128x64xf32, #tpu.memory_space<vmem>>
          %dma_wait3A_149 = arith.constant 0 : i32
          %dma_wait3A_150 = tpu.memref_slice %arg4[%mul3A_145, %dma_wait3A_149] : memref<640000x64xf32, #tpu.memory_space<hbm>> -> memref<128x64xf32, #tpu.memory_space<hbm>>
          %dma_wait3A_151 = tpu.memref_slice %run_scoped3A_19[%rem3A_143] : memref<2x!tpu.dma_semaphore, #tpu.memory_space<semaphore_mem>> -> memref<1x!tpu.dma_semaphore, #tpu.memory_space<semaphore_mem>>
          %dma_wait3A_152 = tpu.memref_squeeze %dma_wait3A_151 : memref<1x!tpu.dma_semaphore, #tpu.memory_space<semaphore_mem>> -> memref<!tpu.dma_semaphore, #tpu.memory_space<semaphore_mem>>
          %dma_wait3A_153 = arith.constant 0 : i32
          %dma_wait3A_154 = tpu.memref_slice %arg4[%mul3A_145, %dma_wait3A_153] : memref<640000x64xf32, #tpu.memory_space<hbm>> -> memref<128x64xf32, #tpu.memory_space<hbm>>
          %dma_wait3A_155 = arith.constant 0 : i32
          %dma_wait3A_156 = arith.constant 0 : i32
          %dma_wait3A_157 = tpu.memref_slice %run_scoped3A_18[%rem3A_143, %dma_wait3A_155, %dma_wait3A_156] : memref<2x128x64xf32, #tpu.memory_space<vmem>> -> memref<1x128x64xf32, #tpu.memory_space<vmem>>
          %dma_wait3A_158 = tpu.memref_squeeze %dma_wait3A_157 : memref<1x128x64xf32, #tpu.memory_space<vmem>> -> memref<128x64xf32, #tpu.memory_space<vmem>>
          tpu.wait_dma2 semaphore(%dma_wait3A_152 : memref<!tpu.dma_semaphore, #tpu.memory_space<semaphore_mem>>) src(%dma_wait3A_158 : memref<128x64xf32, #tpu.memory_space<vmem>>) dst(%dma_wait3A_154 : memref<128x64xf32, #tpu.memory_space<hbm>>)
          "tpu.trace_stop"() : () -> ()
        } else {
        }
      } else {
      }
      tpu.yield
    }) : () -> ()
    return
  }
}

module attributes {stable_mosaic.version = 14 : i64} {
  func.func @_proj_body(%arg0: i32, %arg1: memref<1600x75xf32, #tpu.memory_space<vmem>>, %arg2: memref<75x64xf32, #tpu.memory_space<vmem>>, %arg3: memref<1x64xf32, #tpu.memory_space<vmem>>, %arg4: memref<1600x64xf32, #tpu.memory_space<vmem>>) attributes {dimension_semantics = [#tpu.dimension_semantics<arbitrary>], iteration_bounds = array<i64: 8>, scalar_prefetch = 0 : i64, scratch_operands = 0 : i64, tpu.core_type = #tpu.core_type<tc>, window_params = [{transform_indices = @transform_0, window_bounds = array<i64: 1600, 75>}, {pipeline_mode = #tpu.pipeline_mode<synchronous>, transform_indices = @transform_1, window_bounds = array<i64: 75, 64>}, {pipeline_mode = #tpu.pipeline_mode<synchronous>, transform_indices = @transform_2, window_bounds = array<i64: 1, 64>}, {transform_indices = @transform_3, window_bounds = array<i64: 1600, 64>}]} {
    %get3A = arith.constant 0 : index
    %get3A_0 = arith.constant 0 : index
    %get3A_1 = vector.load %arg1[%get3A, %get3A_0] : memref<1600x75xf32, #tpu.memory_space<vmem>>, vector<1600x75xf32>
    %get3A_2 = arith.constant 0 : index
    %get3A_3 = arith.constant 0 : index
    %get3A_4 = vector.load %arg2[%get3A_2, %get3A_3] : memref<75x64xf32, #tpu.memory_space<vmem>>, vector<75x64xf32>
    %dot_general3A = arith.constant dense<0.000000e+00> : vector<1600x64xf32>
    %dot_general3A_5 = tpu.matmul %get3A_1, %get3A_4, %dot_general3A {dimension_numbers = #tpu.dot_dimension_numbers<[1], [0], [0], [1], [0, 0, 1, 1], [], []>, transpose_lhs_hint = false} : vector<1600x75xf32>, vector<75x64xf32>, vector<1600x64xf32> -> vector<1600x64xf32>
    %get3A_6 = arith.constant 0 : index
    %get3A_7 = arith.constant 0 : index
    %get3A_8 = vector.load %arg3[%get3A_6, %get3A_7] : memref<1x64xf32, #tpu.memory_space<vmem>>, vector<1x64xf32>
    %add3A = vector.broadcast %get3A_8 : vector<1x64xf32> to vector<1600x64xf32>
    %add3A_9 = arith.addf %dot_general3A_5, %add3A : vector<1600x64xf32>
    %swap3A = arith.constant 0 : index
    %swap3A_10 = arith.constant 0 : index
    %swap3A_11 = vector.load %arg4[%swap3A, %swap3A_10] : memref<1600x64xf32, #tpu.memory_space<vmem>>, vector<1600x64xf32>
    tpu.vector_store %arg4[%swap3A, %swap3A_10], %add3A_9 {strides = array<i32>} : memref<1600x64xf32, #tpu.memory_space<vmem>>, vector<1600x64xf32>,
    return
  }
  func.func @transform_0(%arg0: i32) -> (i32, i32) {
    %c0_i32 = arith.constant 0 : i32
    %c0_i32_0 = arith.constant 0 : i32
    return %arg0, %c0_i32 : i32, i32
  }
  func.func @transform_1(%arg0: i32) -> (i32, i32) {
    %c0_i32 = arith.constant 0 : i32
    %c0_i32_0 = arith.constant 0 : i32
    %c0_i32_1 = arith.constant 0 : i32
    return %c0_i32, %c0_i32_0 : i32, i32
  }
  func.func @transform_2(%arg0: i32) -> (i32, i32) {
    %c0_i32 = arith.constant 0 : i32
    %c0_i32_0 = arith.constant 0 : i32
    %c0_i32_1 = arith.constant 0 : i32
    return %c0_i32, %c0_i32_0 : i32, i32
  }
  func.func @transform_3(%arg0: i32) -> (i32, i32) {
    %c0_i32 = arith.constant 0 : i32
    %c0_i32_0 = arith.constant 0 : i32
    return %arg0, %c0_i32 : i32, i32
  }
}

module attributes {stable_mosaic.version = 14 : i64} {
  func.func @_dag_body(%arg0: i32, %arg1: i32, %arg2: memref<1x512x64xf32, #tpu.memory_space<vmem>>, %arg3: memref<1x512x50xi32, #tpu.memory_space<vmem>>, %arg4: memref<1920x64xbf16, #tpu.memory_space<vmem>>, %arg5: memref<64x30xbf16, #tpu.memory_space<vmem>>, %arg6: memref<1x30xf32, #tpu.memory_space<vmem>>, %arg7: memref<512x30xf32, #tpu.memory_space<vmem>>, %arg8: memref<512x1920xf32, #tpu.memory_space<vmem>>) attributes {dimension_semantics = [#tpu.dimension_semantics<parallel>, #tpu.dimension_semantics<arbitrary>], iteration_bounds = array<i64: 25, 50>, scalar_prefetch = 0 : i64, scratch_operands = 1 : i64, tpu.core_type = #tpu.core_type<tc>, window_params = [{transform_indices = @transform_0, window_bounds = array<i64: 1, 512, 64>}, {transform_indices = @transform_1, window_bounds = array<i64: 1, 512, 50>}, {pipeline_mode = #tpu.pipeline_mode<synchronous>, transform_indices = @transform_2, window_bounds = array<i64: 1920, 64>}, {pipeline_mode = #tpu.pipeline_mode<synchronous>, transform_indices = @transform_3, window_bounds = array<i64: 64, 30>}, {pipeline_mode = #tpu.pipeline_mode<synchronous>, transform_indices = @transform_4, window_bounds = array<i64: 1, 30>}, {transform_indices = @transform_5, window_bounds = array<i64: 512, 30>}]} {
    %eq3A = arith.constant 0 : i32
    %eq3A_0 = arith.cmpi eq, %arg1, %eq3A : i32
    %convert_element_type3A = arith.extui %eq3A_0 : i1 to i32
    %cond3A = arith.constant 0 : i32
    %cond3A_1 = arith.cmpi ne, %convert_element_type3A, %cond3A : i32
    scf.if %cond3A_1 {
      %broadcast_in_dim3A = arith.constant 0.000000e+00 : f32
      %broadcast_in_dim3A_542 = vector.broadcast %broadcast_in_dim3A : f32 to vector<512x1920xf32>
      %swap3A_543 = arith.constant 0 : index
      %swap3A_544 = arith.constant 0 : index
      %swap3A_545 = vector.load %arg8[%swap3A_543, %swap3A_544] : memref<512x1920xf32, #tpu.memory_space<vmem>>, vector<512x1920xf32>
      tpu.vector_store %arg8[%swap3A_543, %swap3A_544], %broadcast_in_dim3A_542 {strides = array<i32>} : memref<512x1920xf32, #tpu.memory_space<vmem>>, vector<512x1920xf32>,
    } else {
    }
    %get3A = arith.constant 0 : index
    %get3A_2 = arith.constant 0 : index
    %get3A_3 = arith.constant 0 : index
    %get3A_4 = vector.load %arg3[%get3A, %get3A_2, %get3A_3] : memref<1x512x50xi32, #tpu.memory_space<vmem>>, vector<1x512x50xi32>
    %get3A_5 = vector.shape_cast %get3A_4 : vector<1x512x50xi32> to vector<512x50xi32>
    %slice3A = vector.extract_strided_slice %get3A_5 {offsets = [0, 0], sizes = [512, 1], strides = [1, 1]} : vector<512x50xi32> to vector<512x1xi32>
    %slice3A_6 = vector.extract_strided_slice %get3A_5 {offsets = [0, 1], sizes = [512, 49], strides = [1, 1]} : vector<512x50xi32> to vector<512x49xi32>
    %jit3A = arith.constant 51 : i32
    %pad3A = vector.broadcast %jit3A : i32 to vector<512x15xi32>
    %pad3A_7 = tpu.concatenate %slice3A_6, %pad3A in 1 : vector<512x49xi32>, vector<512x15xi32> -> vector<512x64xi32>
    %add3A = arith.constant 64 : i32
    %add3A_8 = vector.broadcast %add3A : i32 to vector<512x64xi32>
    %add3A_9 = arith.addi %pad3A_7, %add3A_8 : vector<512x64xi32>
    %concatenate3A = tpu.concatenate %pad3A_7, %add3A_9 in 1 : vector<512x64xi32>, vector<512x64xi32> -> vector<512x128xi32>
    %get3A_10 = arith.constant 0 : index
    %get3A_11 = arith.constant 0 : index
    %get3A_12 = vector.load %arg8[%get3A_10, %get3A_11] : memref<512x1920xf32, #tpu.memory_space<vmem>>, vector<512x128xf32>
    %lt3A = arith.constant 0 : i32
    %lt3A_13 = vector.broadcast %lt3A : i32 to vector<512x128xi32>
    %lt3A_14 = arith.cmpi slt, %concatenate3A, %lt3A_13 : vector<512x128xi32>
    %add3A_15 = arith.constant 128 : i32
    %add3A_16 = vector.broadcast %add3A_15 : i32 to vector<512x128xi32>
    %add3A_17 = arith.addi %concatenate3A, %add3A_16 : vector<512x128xi32>
    %select_n3A = arith.select %lt3A_14, %add3A_17, %concatenate3A : vector<512x128xi1>, vector<512x128xi32>
    %reshape3A = vector.shape_cast %select_n3A : vector<512x128xi32> to vector<512x128x1xi32>
    %gather3A = vector.shape_cast %reshape3A : vector<512x128x1xi32> to vector<512x128xi32>
    %gather3A_18 = tpu.dynamic_gather %get3A_12[%gather3A] in [1] : vector<512x128xf32>, vector<512x128xi32> -> vector<512x128xf32>
    %get3A_19 = arith.constant 0 : index
    %get3A_20 = arith.constant 128 : index
    %get3A_21 = vector.load %arg8[%get3A_19, %get3A_20] : memref<512x1920xf32, #tpu.memory_space<vmem>>, vector<512x128xf32>
    %lt3A_22 = arith.constant 0 : i32
    %lt3A_23 = vector.broadcast %lt3A_22 : i32 to vector<512x128xi32>
    %lt3A_24 = arith.cmpi slt, %concatenate3A, %lt3A_23 : vector<512x128xi32>
    %add3A_25 = arith.constant 128 : i32
    %add3A_26 = vector.broadcast %add3A_25 : i32 to vector<512x128xi32>
    %add3A_27 = arith.addi %concatenate3A, %add3A_26 : vector<512x128xi32>
    %select_n3A_28 = arith.select %lt3A_24, %add3A_27, %concatenate3A : vector<512x128xi1>, vector<512x128xi32>
    %reshape3A_29 = vector.shape_cast %select_n3A_28 : vector<512x128xi32> to vector<512x128x1xi32>
    %gather3A_30 = vector.shape_cast %reshape3A_29 : vector<512x128x1xi32> to vector<512x128xi32>
    %gather3A_31 = tpu.dynamic_gather %get3A_21[%gather3A_30] in [1] : vector<512x128xf32>, vector<512x128xi32> -> vector<512x128xf32>
    %get3A_32 = arith.constant 0 : index
    %get3A_33 = arith.constant 256 : index
    %get3A_34 = vector.load %arg8[%get3A_32, %get3A_33] : memref<512x1920xf32, #tpu.memory_space<vmem>>, vector<512x128xf32>
    %lt3A_35 = arith.constant 0 : i32
    %lt3A_36 = vector.broadcast %lt3A_35 : i32 to vector<512x128xi32>
    %lt3A_37 = arith.cmpi slt, %concatenate3A, %lt3A_36 : vector<512x128xi32>
    %add3A_38 = arith.constant 128 : i32
    %add3A_39 = vector.broadcast %add3A_38 : i32 to vector<512x128xi32>
    %add3A_40 = arith.addi %concatenate3A, %add3A_39 : vector<512x128xi32>
    %select_n3A_41 = arith.select %lt3A_37, %add3A_40, %concatenate3A : vector<512x128xi1>, vector<512x128xi32>
    %reshape3A_42 = vector.shape_cast %select_n3A_41 : vector<512x128xi32> to vector<512x128x1xi32>
    %gather3A_43 = vector.shape_cast %reshape3A_42 : vector<512x128x1xi32> to vector<512x128xi32>
    %gather3A_44 = tpu.dynamic_gather %get3A_34[%gather3A_43] in [1] : vector<512x128xf32>, vector<512x128xi32> -> vector<512x128xf32>
    %get3A_45 = arith.constant 0 : index
    %get3A_46 = arith.constant 384 : index
    %get3A_47 = vector.load %arg8[%get3A_45, %get3A_46] : memref<512x1920xf32, #tpu.memory_space<vmem>>, vector<512x128xf32>
    %lt3A_48 = arith.constant 0 : i32
    %lt3A_49 = vector.broadcast %lt3A_48 : i32 to vector<512x128xi32>
    %lt3A_50 = arith.cmpi slt, %concatenate3A, %lt3A_49 : vector<512x128xi32>
    %add3A_51 = arith.constant 128 : i32
    %add3A_52 = vector.broadcast %add3A_51 : i32 to vector<512x128xi32>
    %add3A_53 = arith.addi %concatenate3A, %add3A_52 : vector<512x128xi32>
    %select_n3A_54 = arith.select %lt3A_50, %add3A_53, %concatenate3A : vector<512x128xi1>, vector<512x128xi32>
    %reshape3A_55 = vector.shape_cast %select_n3A_54 : vector<512x128xi32> to vector<512x128x1xi32>
    %gather3A_56 = vector.shape_cast %reshape3A_55 : vector<512x128x1xi32> to vector<512x128xi32>
    %gather3A_57 = tpu.dynamic_gather %get3A_47[%gather3A_56] in [1] : vector<512x128xf32>, vector<512x128xi32> -> vector<512x128xf32>
    %get3A_58 = arith.constant 0 : index
    %get3A_59 = arith.constant 512 : index
    %get3A_60 = vector.load %arg8[%get3A_58, %get3A_59] : memref<512x1920xf32, #tpu.memory_space<vmem>>, vector<512x128xf32>
    %lt3A_61 = arith.constant 0 : i32
    %lt3A_62 = vector.broadcast %lt3A_61 : i32 to vector<512x128xi32>
    %lt3A_63 = arith.cmpi slt, %concatenate3A, %lt3A_62 : vector<512x128xi32>
    %add3A_64 = arith.constant 128 : i32
    %add3A_65 = vector.broadcast %add3A_64 : i32 to vector<512x128xi32>
    %add3A_66 = arith.addi %concatenate3A, %add3A_65 : vector<512x128xi32>
    %select_n3A_67 = arith.select %lt3A_63, %add3A_66, %concatenate3A : vector<512x128xi1>, vector<512x128xi32>
    %reshape3A_68 = vector.shape_cast %select_n3A_67 : vector<512x128xi32> to vector<512x128x1xi32>
    %gather3A_69 = vector.shape_cast %reshape3A_68 : vector<512x128x1xi32> to vector<512x128xi32>
    %gather3A_70 = tpu.dynamic_gather %get3A_60[%gather3A_69] in [1] : vector<512x128xf32>, vector<512x128xi32> -> vector<512x128xf32>
    %get3A_71 = arith.constant 0 : index
    %get3A_72 = arith.constant 640 : index
    %get3A_73 = vector.load %arg8[%get3A_71, %get3A_72] : memref<512x1920xf32, #tpu.memory_space<vmem>>, vector<512x128xf32>
    %lt3A_74 = arith.constant 0 : i32
    %lt3A_75 = vector.broadcast %lt3A_74 : i32 to vector<512x128xi32>
    %lt3A_76 = arith.cmpi slt, %concatenate3A, %lt3A_75 : vector<512x128xi32>
    %add3A_77 = arith.constant 128 : i32
    %add3A_78 = vector.broadcast %add3A_77 : i32 to vector<512x128xi32>
    %add3A_79 = arith.addi %concatenate3A, %add3A_78 : vector<512x128xi32>
    %select_n3A_80 = arith.select %lt3A_76, %add3A_79, %concatenate3A : vector<512x128xi1>, vector<512x128xi32>
    %reshape3A_81 = vector.shape_cast %select_n3A_80 : vector<512x128xi32> to vector<512x128x1xi32>
    %gather3A_82 = vector.shape_cast %reshape3A_81 : vector<512x128x1xi32> to vector<512x128xi32>
    %gather3A_83 = tpu.dynamic_gather %get3A_73[%gather3A_82] in [1] : vector<512x128xf32>, vector<512x128xi32> -> vector<512x128xf32>
    %get3A_84 = arith.constant 0 : index
    %get3A_85 = arith.constant 768 : index
    %get3A_86 = vector.load %arg8[%get3A_84, %get3A_85] : memref<512x1920xf32, #tpu.memory_space<vmem>>, vector<512x128xf32>
    %lt3A_87 = arith.constant 0 : i32
    %lt3A_88 = vector.broadcast %lt3A_87 : i32 to vector<512x128xi32>
    %lt3A_89 = arith.cmpi slt, %concatenate3A, %lt3A_88 : vector<512x128xi32>
    %add3A_90 = arith.constant 128 : i32
    %add3A_91 = vector.broadcast %add3A_90 : i32 to vector<512x128xi32>
    %add3A_92 = arith.addi %concatenate3A, %add3A_91 : vector<512x128xi32>
    %select_n3A_93 = arith.select %lt3A_89, %add3A_92, %concatenate3A : vector<512x128xi1>, vector<512x128xi32>
    %reshape3A_94 = vector.shape_cast %select_n3A_93 : vector<512x128xi32> to vector<512x128x1xi32>
    %gather3A_95 = vector.shape_cast %reshape3A_94 : vector<512x128x1xi32> to vector<512x128xi32>
    %gather3A_96 = tpu.dynamic_gather %get3A_86[%gather3A_95] in [1] : vector<512x128xf32>, vector<512x128xi32> -> vector<512x128xf32>
    %get3A_97 = arith.constant 0 : index
    %get3A_98 = arith.constant 896 : index
    %get3A_99 = vector.load %arg8[%get3A_97, %get3A_98] : memref<512x1920xf32, #tpu.memory_space<vmem>>, vector<512x128xf32>
    %lt3A_100 = arith.constant 0 : i32
    %lt3A_101 = vector.broadcast %lt3A_100 : i32 to vector<512x128xi32>
    %lt3A_102 = arith.cmpi slt, %concatenate3A, %lt3A_101 : vector<512x128xi32>
    %add3A_103 = arith.constant 128 : i32
    %add3A_104 = vector.broadcast %add3A_103 : i32 to vector<512x128xi32>
    %add3A_105 = arith.addi %concatenate3A, %add3A_104 : vector<512x128xi32>
    %select_n3A_106 = arith.select %lt3A_102, %add3A_105, %concatenate3A : vector<512x128xi1>, vector<512x128xi32>
    %reshape3A_107 = vector.shape_cast %select_n3A_106 : vector<512x128xi32> to vector<512x128x1xi32>
    %gather3A_108 = vector.shape_cast %reshape3A_107 : vector<512x128x1xi32> to vector<512x128xi32>
    %gather3A_109 = tpu.dynamic_gather %get3A_99[%gather3A_108] in [1] : vector<512x128xf32>, vector<512x128xi32> -> vector<512x128xf32>
    %get3A_110 = arith.constant 0 : index
    %get3A_111 = arith.constant 1024 : index
    %get3A_112 = vector.load %arg8[%get3A_110, %get3A_111] : memref<512x1920xf32, #tpu.memory_space<vmem>>, vector<512x128xf32>
    %lt3A_113 = arith.constant 0 : i32
    %lt3A_114 = vector.broadcast %lt3A_113 : i32 to vector<512x128xi32>
    %lt3A_115 = arith.cmpi slt, %concatenate3A, %lt3A_114 : vector<512x128xi32>
    %add3A_116 = arith.constant 128 : i32
    %add3A_117 = vector.broadcast %add3A_116 : i32 to vector<512x128xi32>
    %add3A_118 = arith.addi %concatenate3A, %add3A_117 : vector<512x128xi32>
    %select_n3A_119 = arith.select %lt3A_115, %add3A_118, %concatenate3A : vector<512x128xi1>, vector<512x128xi32>
    %reshape3A_120 = vector.shape_cast %select_n3A_119 : vector<512x128xi32> to vector<512x128x1xi32>
    %gather3A_121 = vector.shape_cast %reshape3A_120 : vector<512x128x1xi32> to vector<512x128xi32>
    %gather3A_122 = tpu.dynamic_gather %get3A_112[%gather3A_121] in [1] : vector<512x128xf32>, vector<512x128xi32> -> vector<512x128xf32>
    %get3A_123 = arith.constant 0 : index
    %get3A_124 = arith.constant 1152 : index
    %get3A_125 = vector.load %arg8[%get3A_123, %get3A_124] : memref<512x1920xf32, #tpu.memory_space<vmem>>, vector<512x128xf32>
    %lt3A_126 = arith.constant 0 : i32
    %lt3A_127 = vector.broadcast %lt3A_126 : i32 to vector<512x128xi32>
    %lt3A_128 = arith.cmpi slt, %concatenate3A, %lt3A_127 : vector<512x128xi32>
    %add3A_129 = arith.constant 128 : i32
    %add3A_130 = vector.broadcast %add3A_129 : i32 to vector<512x128xi32>
    %add3A_131 = arith.addi %concatenate3A, %add3A_130 : vector<512x128xi32>
    %select_n3A_132 = arith.select %lt3A_128, %add3A_131, %concatenate3A : vector<512x128xi1>, vector<512x128xi32>
    %reshape3A_133 = vector.shape_cast %select_n3A_132 : vector<512x128xi32> to vector<512x128x1xi32>
    %gather3A_134 = vector.shape_cast %reshape3A_133 : vector<512x128x1xi32> to vector<512x128xi32>
    %gather3A_135 = tpu.dynamic_gather %get3A_125[%gather3A_134] in [1] : vector<512x128xf32>, vector<512x128xi32> -> vector<512x128xf32>
    %get3A_136 = arith.constant 0 : index
    %get3A_137 = arith.constant 1280 : index
    %get3A_138 = vector.load %arg8[%get3A_136, %get3A_137] : memref<512x1920xf32, #tpu.memory_space<vmem>>, vector<512x128xf32>
    %lt3A_139 = arith.constant 0 : i32
    %lt3A_140 = vector.broadcast %lt3A_139 : i32 to vector<512x128xi32>
    %lt3A_141 = arith.cmpi slt, %concatenate3A, %lt3A_140 : vector<512x128xi32>
    %add3A_142 = arith.constant 128 : i32
    %add3A_143 = vector.broadcast %add3A_142 : i32 to vector<512x128xi32>
    %add3A_144 = arith.addi %concatenate3A, %add3A_143 : vector<512x128xi32>
    %select_n3A_145 = arith.select %lt3A_141, %add3A_144, %concatenate3A : vector<512x128xi1>, vector<512x128xi32>
    %reshape3A_146 = vector.shape_cast %select_n3A_145 : vector<512x128xi32> to vector<512x128x1xi32>
    %gather3A_147 = vector.shape_cast %reshape3A_146 : vector<512x128x1xi32> to vector<512x128xi32>
    %gather3A_148 = tpu.dynamic_gather %get3A_138[%gather3A_147] in [1] : vector<512x128xf32>, vector<512x128xi32> -> vector<512x128xf32>
    %get3A_149 = arith.constant 0 : index
    %get3A_150 = arith.constant 1408 : index
    %get3A_151 = vector.load %arg8[%get3A_149, %get3A_150] : memref<512x1920xf32, #tpu.memory_space<vmem>>, vector<512x128xf32>
    %lt3A_152 = arith.constant 0 : i32
    %lt3A_153 = vector.broadcast %lt3A_152 : i32 to vector<512x128xi32>
    %lt3A_154 = arith.cmpi slt, %concatenate3A, %lt3A_153 : vector<512x128xi32>
    %add3A_155 = arith.constant 128 : i32
    %add3A_156 = vector.broadcast %add3A_155 : i32 to vector<512x128xi32>
    %add3A_157 = arith.addi %concatenate3A, %add3A_156 : vector<512x128xi32>
    %select_n3A_158 = arith.select %lt3A_154, %add3A_157, %concatenate3A : vector<512x128xi1>, vector<512x128xi32>
    %reshape3A_159 = vector.shape_cast %select_n3A_158 : vector<512x128xi32> to vector<512x128x1xi32>
    %gather3A_160 = vector.shape_cast %reshape3A_159 : vector<512x128x1xi32> to vector<512x128xi32>
    %gather3A_161 = tpu.dynamic_gather %get3A_151[%gather3A_160] in [1] : vector<512x128xf32>, vector<512x128xi32> -> vector<512x128xf32>
    %get3A_162 = arith.constant 0 : index
    %get3A_163 = arith.constant 1536 : index
    %get3A_164 = vector.load %arg8[%get3A_162, %get3A_163] : memref<512x1920xf32, #tpu.memory_space<vmem>>, vector<512x128xf32>
    %lt3A_165 = arith.constant 0 : i32
    %lt3A_166 = vector.broadcast %lt3A_165 : i32 to vector<512x128xi32>
    %lt3A_167 = arith.cmpi slt, %concatenate3A, %lt3A_166 : vector<512x128xi32>
    %add3A_168 = arith.constant 128 : i32
    %add3A_169 = vector.broadcast %add3A_168 : i32 to vector<512x128xi32>
    %add3A_170 = arith.addi %concatenate3A, %add3A_169 : vector<512x128xi32>
    %select_n3A_171 = arith.select %lt3A_167, %add3A_170, %concatenate3A : vector<512x128xi1>, vector<512x128xi32>
    %reshape3A_172 = vector.shape_cast %select_n3A_171 : vector<512x128xi32> to vector<512x128x1xi32>
    %gather3A_173 = vector.shape_cast %reshape3A_172 : vector<512x128x1xi32> to vector<512x128xi32>
    %gather3A_174 = tpu.dynamic_gather %get3A_164[%gather3A_173] in [1] : vector<512x128xf32>, vector<512x128xi32> -> vector<512x128xf32>
    %get3A_175 = arith.constant 0 : index
    %get3A_176 = arith.constant 1664 : index
    %get3A_177 = vector.load %arg8[%get3A_175, %get3A_176] : memref<512x1920xf32, #tpu.memory_space<vmem>>, vector<512x128xf32>
    %lt3A_178 = arith.constant 0 : i32
    %lt3A_179 = vector.broadcast %lt3A_178 : i32 to vector<512x128xi32>
    %lt3A_180 = arith.cmpi slt, %concatenate3A, %lt3A_179 : vector<512x128xi32>
    %add3A_181 = arith.constant 128 : i32
    %add3A_182 = vector.broadcast %add3A_181 : i32 to vector<512x128xi32>
    %add3A_183 = arith.addi %concatenate3A, %add3A_182 : vector<512x128xi32>
    %select_n3A_184 = arith.select %lt3A_180, %add3A_183, %concatenate3A : vector<512x128xi1>, vector<512x128xi32>
    %reshape3A_185 = vector.shape_cast %select_n3A_184 : vector<512x128xi32> to vector<512x128x1xi32>
    %gather3A_186 = vector.shape_cast %reshape3A_185 : vector<512x128x1xi32> to vector<512x128xi32>
    %gather3A_187 = tpu.dynamic_gather %get3A_177[%gather3A_186] in [1] : vector<512x128xf32>, vector<512x128xi32> -> vector<512x128xf32>
    %get3A_188 = arith.constant 0 : index
    %get3A_189 = arith.constant 1792 : index
    %get3A_190 = vector.load %arg8[%get3A_188, %get3A_189] : memref<512x1920xf32, #tpu.memory_space<vmem>>, vector<512x128xf32>
    %lt3A_191 = arith.constant 0 : i32
    %lt3A_192 = vector.broadcast %lt3A_191 : i32 to vector<512x128xi32>
    %lt3A_193 = arith.cmpi slt, %concatenate3A, %lt3A_192 : vector<512x128xi32>
    %add3A_194 = arith.constant 128 : i32
    %add3A_195 = vector.broadcast %add3A_194 : i32 to vector<512x128xi32>
    %add3A_196 = arith.addi %concatenate3A, %add3A_195 : vector<512x128xi32>
    %select_n3A_197 = arith.select %lt3A_193, %add3A_196, %concatenate3A : vector<512x128xi1>, vector<512x128xi32>
    %reshape3A_198 = vector.shape_cast %select_n3A_197 : vector<512x128xi32> to vector<512x128x1xi32>
    %gather3A_199 = vector.shape_cast %reshape3A_198 : vector<512x128x1xi32> to vector<512x128xi32>
    %gather3A_200 = tpu.dynamic_gather %get3A_190[%gather3A_199] in [1] : vector<512x128xf32>, vector<512x128xi32> -> vector<512x128xf32>
    %concatenate3A_201 = tpu.concatenate %gather3A_18, %gather3A_31, %gather3A_44, %gather3A_57, %gather3A_70, %gather3A_83, %gather3A_96, %gather3A_109, %gather3A_122, %gather3A_135, %gather3A_148, %gather3A_161, %gather3A_174, %gather3A_187, %gather3A_200 in 1 : vector<512x128xf32>, vector<512x128xf32>, vector<512x128xf32>, vector<512x128xf32>, vector<512x128xf32>, vector<512x128xf32>, vector<512x128xf32>, vector<512x128xf32>, vector<512x128xf32>, vector<512x128xf32>, vector<512x128xf32>, vector<512x128xf32>, vector<512x128xf32>, vector<512x128xf32>, vector<512x128xf32> -> vector<512x1920xf32>
    %get3A_202 = arith.constant 0 : index
    %get3A_203 = arith.constant 0 : index
    %get3A_204 = arith.constant 0 : index
    %get3A_205 = vector.load %arg2[%get3A_202, %get3A_203, %get3A_204] : memref<1x512x64xf32, #tpu.memory_space<vmem>>, vector<1x512x64xf32>
    %get3A_206 = vector.shape_cast %get3A_205 : vector<1x512x64xf32> to vector<512x64xf32>
    %convert_element_type3A_207 = arith.truncf %concatenate3A_201 : vector<512x1920xf32> to vector<512x1920xbf16>
    %get3A_208 = arith.constant 0 : index
    %get3A_209 = arith.constant 0 : index
    %get3A_210 = vector.load %arg4[%get3A_208, %get3A_209] : memref<1920x64xbf16, #tpu.memory_space<vmem>>, vector<1920x64xbf16>
    %dot_general3A = arith.constant dense<0.000000e+00> : vector<512x64xf32>
    %dot_general3A_211 = tpu.matmul %convert_element_type3A_207, %get3A_210, %dot_general3A {dimension_numbers = #tpu.dot_dimension_numbers<[1], [0], [0], [1], [0, 0, 1, 1], [], []>, transpose_lhs_hint = false} : vector<512x1920xbf16>, vector<1920x64xbf16>, vector<512x64xf32> -> vector<512x64xf32>
    %add3A_212 = arith.addf %get3A_206, %dot_general3A_211 : vector<512x64xf32>
    %max3A = arith.constant 0.000000e+00 : f32
    %max3A_213 = vector.broadcast %max3A : f32 to vector<512x64xf32>
    %max3A_214 = arith.maximumf %add3A_212, %max3A_213 : vector<512x64xf32>
    %convert_element_type3A_215 = arith.truncf %max3A_214 : vector<512x64xf32> to vector<512x64xbf16>
    %get3A_216 = arith.constant 0 : index
    %get3A_217 = arith.constant 0 : index
    %get3A_218 = vector.load %arg5[%get3A_216, %get3A_217] : memref<64x30xbf16, #tpu.memory_space<vmem>>, vector<64x30xbf16>
    %dot_general3A_219 = arith.constant dense<0.000000e+00> : vector<512x30xf32>
    %dot_general3A_220 = tpu.matmul %convert_element_type3A_215, %get3A_218, %dot_general3A_219 {dimension_numbers = #tpu.dot_dimension_numbers<[1], [0], [0], [1], [0, 0, 1, 1], [], []>, transpose_lhs_hint = false} : vector<512x64xbf16>, vector<64x30xbf16>, vector<512x30xf32> -> vector<512x30xf32>
    %get3A_221 = arith.constant 0 : index
    %get3A_222 = arith.constant 0 : index
    %get3A_223 = vector.load %arg6[%get3A_221, %get3A_222] : memref<1x30xf32, #tpu.memory_space<vmem>>, vector<1x30xf32>
    %add3A_224 = vector.broadcast %get3A_223 : vector<1x30xf32> to vector<512x30xf32>
    %add3A_225 = arith.addf %dot_general3A_220, %add3A_224 : vector<512x30xf32>
    %max3A_226 = arith.constant 0.000000e+00 : f32
    %max3A_227 = vector.broadcast %max3A_226 : f32 to vector<512x30xf32>
    %max3A_228 = arith.maximumf %add3A_225, %max3A_227 : vector<512x30xf32>
    %iota3A = tpu.iota {dimensions = array<i32: 1>} : vector<512x128xi32>
    %and3A = arith.constant 63 : i32
    %and3A_229 = vector.broadcast %and3A : i32 to vector<512x128xi32>
    %and3A_230 = arith.andi %iota3A, %and3A_229 : vector<512x128xi32>
    %eq3A_231 = vector.broadcast %slice3A : vector<512x1xi32> to vector<512x128xi32>
    %eq3A_232 = arith.cmpi eq, %and3A_230, %eq3A_231 : vector<512x128xi32>
    %ge3A = arith.constant 64 : i32
    %ge3A_233 = vector.broadcast %ge3A : i32 to vector<512x128xi32>
    %ge3A_234 = arith.cmpi sge, %iota3A, %ge3A_233 : vector<512x128xi32>
    %convert_element_type3A_235 = arith.extui %ge3A_234 : vector<512x128xi1> to vector<512x128xi32>
    %jit3A_236 = arith.constant 0 : i32
    %convert_element_type3A_237 = arith.sitofp %jit3A_236 : i32 to f32
    %pad3A_238 = vector.broadcast %convert_element_type3A_237 : f32 to vector<512x98xf32>
    %pad3A_239 = tpu.concatenate %max3A_228, %pad3A_238 in 1 : vector<512x30xf32>, vector<512x98xf32> -> vector<512x128xf32>
    %get3A_240 = arith.constant 0 : index
    %get3A_241 = arith.constant 0 : index
    %get3A_242 = vector.load %arg8[%get3A_240, %get3A_241] : memref<512x1920xf32, #tpu.memory_space<vmem>>, vector<512x128xf32>
    %add3A_243 = arith.constant 0 : i32
    %add3A_244 = vector.broadcast %add3A_243 : i32 to vector<512x128xi32>
    %add3A_245 = arith.addi %convert_element_type3A_235, %add3A_244 : vector<512x128xi32>
    %lt3A_246 = arith.constant 0 : i32
    %lt3A_247 = vector.broadcast %lt3A_246 : i32 to vector<512x128xi32>
    %lt3A_248 = arith.cmpi slt, %add3A_245, %lt3A_247 : vector<512x128xi32>
    %add3A_249 = arith.constant 128 : i32
    %add3A_250 = vector.broadcast %add3A_249 : i32 to vector<512x128xi32>
    %add3A_251 = arith.addi %add3A_245, %add3A_250 : vector<512x128xi32>
    %select_n3A_252 = arith.select %lt3A_248, %add3A_251, %add3A_245 : vector<512x128xi1>, vector<512x128xi32>
    %reshape3A_253 = vector.shape_cast %select_n3A_252 : vector<512x128xi32> to vector<512x128x1xi32>
    %gather3A_254 = vector.shape_cast %reshape3A_253 : vector<512x128x1xi32> to vector<512x128xi32>
    %gather3A_255 = tpu.dynamic_gather %pad3A_239[%gather3A_254] in [1] : vector<512x128xf32>, vector<512x128xi32> -> vector<512x128xf32>
    %select_n3A_256 = arith.select %eq3A_232, %gather3A_255, %get3A_242 : vector<512x128xi1>, vector<512x128xf32>
    %swap3A = arith.constant 0 : index
    %swap3A_257 = arith.constant 0 : index
    %swap3A_258 = vector.load %arg8[%swap3A, %swap3A_257] : memref<512x1920xf32, #tpu.memory_space<vmem>>, vector<512x128xf32>
    tpu.vector_store %arg8[%swap3A, %swap3A_257], %select_n3A_256 {strides = array<i32>} : memref<512x1920xf32, #tpu.memory_space<vmem>>, vector<512x128xf32>,
    %get3A_259 = arith.constant 0 : index
    %get3A_260 = arith.constant 128 : index
    %get3A_261 = vector.load %arg8[%get3A_259, %get3A_260] : memref<512x1920xf32, #tpu.memory_space<vmem>>, vector<512x128xf32>
    %add3A_262 = arith.constant 2 : i32
    %add3A_263 = vector.broadcast %add3A_262 : i32 to vector<512x128xi32>
    %add3A_264 = arith.addi %convert_element_type3A_235, %add3A_263 : vector<512x128xi32>
    %lt3A_265 = arith.constant 0 : i32
    %lt3A_266 = vector.broadcast %lt3A_265 : i32 to vector<512x128xi32>
    %lt3A_267 = arith.cmpi slt, %add3A_264, %lt3A_266 : vector<512x128xi32>
    %add3A_268 = arith.constant 128 : i32
    %add3A_269 = vector.broadcast %add3A_268 : i32 to vector<512x128xi32>
    %add3A_270 = arith.addi %add3A_264, %add3A_269 : vector<512x128xi32>
    %select_n3A_271 = arith.select %lt3A_267, %add3A_270, %add3A_264 : vector<512x128xi1>, vector<512x128xi32>
    %reshape3A_272 = vector.shape_cast %select_n3A_271 : vector<512x128xi32> to vector<512x128x1xi32>
    %gather3A_273 = vector.shape_cast %reshape3A_272 : vector<512x128x1xi32> to vector<512x128xi32>
    %gather3A_274 = tpu.dynamic_gather %pad3A_239[%gather3A_273] in [1] : vector<512x128xf32>, vector<512x128xi32> -> vector<512x128xf32>
    %select_n3A_275 = arith.select %eq3A_232, %gather3A_274, %get3A_261 : vector<512x128xi1>, vector<512x128xf32>
    %swap3A_276 = arith.constant 0 : index
    %swap3A_277 = arith.constant 128 : index
    %swap3A_278 = vector.load %arg8[%swap3A_276, %swap3A_277] : memref<512x1920xf32, #tpu.memory_space<vmem>>, vector<512x128xf32>
    tpu.vector_store %arg8[%swap3A_276, %swap3A_277], %select_n3A_275 {strides = array<i32>} : memref<512x1920xf32, #tpu.memory_space<vmem>>, vector<512x128xf32>,
    %get3A_279 = arith.constant 0 : index
    %get3A_280 = arith.constant 256 : index
    %get3A_281 = vector.load %arg8[%get3A_279, %get3A_280] : memref<512x1920xf32, #tpu.memory_space<vmem>>, vector<512x128xf32>
    %add3A_282 = arith.constant 4 : i32
    %add3A_283 = vector.broadcast %add3A_282 : i32 to vector<512x128xi32>
    %add3A_284 = arith.addi %convert_element_type3A_235, %add3A_283 : vector<512x128xi32>
    %lt3A_285 = arith.constant 0 : i32
    %lt3A_286 = vector.broadcast %lt3A_285 : i32 to vector<512x128xi32>
    %lt3A_287 = arith.cmpi slt, %add3A_284, %lt3A_286 : vector<512x128xi32>
    %add3A_288 = arith.constant 128 : i32
    %add3A_289 = vector.broadcast %add3A_288 : i32 to vector<512x128xi32>
    %add3A_290 = arith.addi %add3A_284, %add3A_289 : vector<512x128xi32>
    %select_n3A_291 = arith.select %lt3A_287, %add3A_290, %add3A_284 : vector<512x128xi1>, vector<512x128xi32>
    %reshape3A_292 = vector.shape_cast %select_n3A_291 : vector<512x128xi32> to vector<512x128x1xi32>
    %gather3A_293 = vector.shape_cast %reshape3A_292 : vector<512x128x1xi32> to vector<512x128xi32>
    %gather3A_294 = tpu.dynamic_gather %pad3A_239[%gather3A_293] in [1] : vector<512x128xf32>, vector<512x128xi32> -> vector<512x128xf32>
    %select_n3A_295 = arith.select %eq3A_232, %gather3A_294, %get3A_281 : vector<512x128xi1>, vector<512x128xf32>
    %swap3A_296 = arith.constant 0 : index
    %swap3A_297 = arith.constant 256 : index
    %swap3A_298 = vector.load %arg8[%swap3A_296, %swap3A_297] : memref<512x1920xf32, #tpu.memory_space<vmem>>, vector<512x128xf32>
    tpu.vector_store %arg8[%swap3A_296, %swap3A_297], %select_n3A_295 {strides = array<i32>} : memref<512x1920xf32, #tpu.memory_space<vmem>>, vector<512x128xf32>,
    %get3A_299 = arith.constant 0 : index
    %get3A_300 = arith.constant 384 : index
    %get3A_301 = vector.load %arg8[%get3A_299, %get3A_300] : memref<512x1920xf32, #tpu.memory_space<vmem>>, vector<512x128xf32>
    %add3A_302 = arith.constant 6 : i32
    %add3A_303 = vector.broadcast %add3A_302 : i32 to vector<512x128xi32>
    %add3A_304 = arith.addi %convert_element_type3A_235, %add3A_303 : vector<512x128xi32>
    %lt3A_305 = arith.constant 0 : i32
    %lt3A_306 = vector.broadcast %lt3A_305 : i32 to vector<512x128xi32>
    %lt3A_307 = arith.cmpi slt, %add3A_304, %lt3A_306 : vector<512x128xi32>
    %add3A_308 = arith.constant 128 : i32
    %add3A_309 = vector.broadcast %add3A_308 : i32 to vector<512x128xi32>
    %add3A_310 = arith.addi %add3A_304, %add3A_309 : vector<512x128xi32>
    %select_n3A_311 = arith.select %lt3A_307, %add3A_310, %add3A_304 : vector<512x128xi1>, vector<512x128xi32>
    %reshape3A_312 = vector.shape_cast %select_n3A_311 : vector<512x128xi32> to vector<512x128x1xi32>
    %gather3A_313 = vector.shape_cast %reshape3A_312 : vector<512x128x1xi32> to vector<512x128xi32>
    %gather3A_314 = tpu.dynamic_gather %pad3A_239[%gather3A_313] in [1] : vector<512x128xf32>, vector<512x128xi32> -> vector<512x128xf32>
    %select_n3A_315 = arith.select %eq3A_232, %gather3A_314, %get3A_301 : vector<512x128xi1>, vector<512x128xf32>
    %swap3A_316 = arith.constant 0 : index
    %swap3A_317 = arith.constant 384 : index
    %swap3A_318 = vector.load %arg8[%swap3A_316, %swap3A_317] : memref<512x1920xf32, #tpu.memory_space<vmem>>, vector<512x128xf32>
    tpu.vector_store %arg8[%swap3A_316, %swap3A_317], %select_n3A_315 {strides = array<i32>} : memref<512x1920xf32, #tpu.memory_space<vmem>>, vector<512x128xf32>,
    %get3A_319 = arith.constant 0 : index
    %get3A_320 = arith.constant 512 : index
    %get3A_321 = vector.load %arg8[%get3A_319, %get3A_320] : memref<512x1920xf32, #tpu.memory_space<vmem>>, vector<512x128xf32>
    %add3A_322 = arith.constant 8 : i32
    %add3A_323 = vector.broadcast %add3A_322 : i32 to vector<512x128xi32>
    %add3A_324 = arith.addi %convert_element_type3A_235, %add3A_323 : vector<512x128xi32>
    %lt3A_325 = arith.constant 0 : i32
    %lt3A_326 = vector.broadcast %lt3A_325 : i32 to vector<512x128xi32>
    %lt3A_327 = arith.cmpi slt, %add3A_324, %lt3A_326 : vector<512x128xi32>
    %add3A_328 = arith.constant 128 : i32
    %add3A_329 = vector.broadcast %add3A_328 : i32 to vector<512x128xi32>
    %add3A_330 = arith.addi %add3A_324, %add3A_329 : vector<512x128xi32>
    %select_n3A_331 = arith.select %lt3A_327, %add3A_330, %add3A_324 : vector<512x128xi1>, vector<512x128xi32>
    %reshape3A_332 = vector.shape_cast %select_n3A_331 : vector<512x128xi32> to vector<512x128x1xi32>
    %gather3A_333 = vector.shape_cast %reshape3A_332 : vector<512x128x1xi32> to vector<512x128xi32>
    %gather3A_334 = tpu.dynamic_gather %pad3A_239[%gather3A_333] in [1] : vector<512x128xf32>, vector<512x128xi32> -> vector<512x128xf32>
    %select_n3A_335 = arith.select %eq3A_232, %gather3A_334, %get3A_321 : vector<512x128xi1>, vector<512x128xf32>
    %swap3A_336 = arith.constant 0 : index
    %swap3A_337 = arith.constant 512 : index
    %swap3A_338 = vector.load %arg8[%swap3A_336, %swap3A_337] : memref<512x1920xf32, #tpu.memory_space<vmem>>, vector<512x128xf32>
    tpu.vector_store %arg8[%swap3A_336, %swap3A_337], %select_n3A_335 {strides = array<i32>} : memref<512x1920xf32, #tpu.memory_space<vmem>>, vector<512x128xf32>,
    %get3A_339 = arith.constant 0 : index
    %get3A_340 = arith.constant 640 : index
    %get3A_341 = vector.load %arg8[%get3A_339, %get3A_340] : memref<512x1920xf32, #tpu.memory_space<vmem>>, vector<512x128xf32>
    %add3A_342 = arith.constant 10 : i32
    %add3A_343 = vector.broadcast %add3A_342 : i32 to vector<512x128xi32>
    %add3A_344 = arith.addi %convert_element_type3A_235, %add3A_343 : vector<512x128xi32>
    %lt3A_345 = arith.constant 0 : i32
    %lt3A_346 = vector.broadcast %lt3A_345 : i32 to vector<512x128xi32>
    %lt3A_347 = arith.cmpi slt, %add3A_344, %lt3A_346 : vector<512x128xi32>
    %add3A_348 = arith.constant 128 : i32
    %add3A_349 = vector.broadcast %add3A_348 : i32 to vector<512x128xi32>
    %add3A_350 = arith.addi %add3A_344, %add3A_349 : vector<512x128xi32>
    %select_n3A_351 = arith.select %lt3A_347, %add3A_350, %add3A_344 : vector<512x128xi1>, vector<512x128xi32>
    %reshape3A_352 = vector.shape_cast %select_n3A_351 : vector<512x128xi32> to vector<512x128x1xi32>
    %gather3A_353 = vector.shape_cast %reshape3A_352 : vector<512x128x1xi32> to vector<512x128xi32>
    %gather3A_354 = tpu.dynamic_gather %pad3A_239[%gather3A_353] in [1] : vector<512x128xf32>, vector<512x128xi32> -> vector<512x128xf32>
    %select_n3A_355 = arith.select %eq3A_232, %gather3A_354, %get3A_341 : vector<512x128xi1>, vector<512x128xf32>
    %swap3A_356 = arith.constant 0 : index
    %swap3A_357 = arith.constant 640 : index
    %swap3A_358 = vector.load %arg8[%swap3A_356, %swap3A_357] : memref<512x1920xf32, #tpu.memory_space<vmem>>, vector<512x128xf32>
    tpu.vector_store %arg8[%swap3A_356, %swap3A_357], %select_n3A_355 {strides = array<i32>} : memref<512x1920xf32, #tpu.memory_space<vmem>>, vector<512x128xf32>,
    %get3A_359 = arith.constant 0 : index
    %get3A_360 = arith.constant 768 : index
    %get3A_361 = vector.load %arg8[%get3A_359, %get3A_360] : memref<512x1920xf32, #tpu.memory_space<vmem>>, vector<512x128xf32>
    %add3A_362 = arith.constant 12 : i32
    %add3A_363 = vector.broadcast %add3A_362 : i32 to vector<512x128xi32>
    %add3A_364 = arith.addi %convert_element_type3A_235, %add3A_363 : vector<512x128xi32>
    %lt3A_365 = arith.constant 0 : i32
    %lt3A_366 = vector.broadcast %lt3A_365 : i32 to vector<512x128xi32>
    %lt3A_367 = arith.cmpi slt, %add3A_364, %lt3A_366 : vector<512x128xi32>
    %add3A_368 = arith.constant 128 : i32
    %add3A_369 = vector.broadcast %add3A_368 : i32 to vector<512x128xi32>
    %add3A_370 = arith.addi %add3A_364, %add3A_369 : vector<512x128xi32>
    %select_n3A_371 = arith.select %lt3A_367, %add3A_370, %add3A_364 : vector<512x128xi1>, vector<512x128xi32>
    %reshape3A_372 = vector.shape_cast %select_n3A_371 : vector<512x128xi32> to vector<512x128x1xi32>
    %gather3A_373 = vector.shape_cast %reshape3A_372 : vector<512x128x1xi32> to vector<512x128xi32>
    %gather3A_374 = tpu.dynamic_gather %pad3A_239[%gather3A_373] in [1] : vector<512x128xf32>, vector<512x128xi32> -> vector<512x128xf32>
    %select_n3A_375 = arith.select %eq3A_232, %gather3A_374, %get3A_361 : vector<512x128xi1>, vector<512x128xf32>
    %swap3A_376 = arith.constant 0 : index
    %swap3A_377 = arith.constant 768 : index
    %swap3A_378 = vector.load %arg8[%swap3A_376, %swap3A_377] : memref<512x1920xf32, #tpu.memory_space<vmem>>, vector<512x128xf32>
    tpu.vector_store %arg8[%swap3A_376, %swap3A_377], %select_n3A_375 {strides = array<i32>} : memref<512x1920xf32, #tpu.memory_space<vmem>>, vector<512x128xf32>,
    %get3A_379 = arith.constant 0 : index
    %get3A_380 = arith.constant 896 : index
    %get3A_381 = vector.load %arg8[%get3A_379, %get3A_380] : memref<512x1920xf32, #tpu.memory_space<vmem>>, vector<512x128xf32>
    %add3A_382 = arith.constant 14 : i32
    %add3A_383 = vector.broadcast %add3A_382 : i32 to vector<512x128xi32>
    %add3A_384 = arith.addi %convert_element_type3A_235, %add3A_383 : vector<512x128xi32>
    %lt3A_385 = arith.constant 0 : i32
    %lt3A_386 = vector.broadcast %lt3A_385 : i32 to vector<512x128xi32>
    %lt3A_387 = arith.cmpi slt, %add3A_384, %lt3A_386 : vector<512x128xi32>
    %add3A_388 = arith.constant 128 : i32
    %add3A_389 = vector.broadcast %add3A_388 : i32 to vector<512x128xi32>
    %add3A_390 = arith.addi %add3A_384, %add3A_389 : vector<512x128xi32>
    %select_n3A_391 = arith.select %lt3A_387, %add3A_390, %add3A_384 : vector<512x128xi1>, vector<512x128xi32>
    %reshape3A_392 = vector.shape_cast %select_n3A_391 : vector<512x128xi32> to vector<512x128x1xi32>
    %gather3A_393 = vector.shape_cast %reshape3A_392 : vector<512x128x1xi32> to vector<512x128xi32>
    %gather3A_394 = tpu.dynamic_gather %pad3A_239[%gather3A_393] in [1] : vector<512x128xf32>, vector<512x128xi32> -> vector<512x128xf32>
    %select_n3A_395 = arith.select %eq3A_232, %gather3A_394, %get3A_381 : vector<512x128xi1>, vector<512x128xf32>
    %swap3A_396 = arith.constant 0 : index
    %swap3A_397 = arith.constant 896 : index
    %swap3A_398 = vector.load %arg8[%swap3A_396, %swap3A_397] : memref<512x1920xf32, #tpu.memory_space<vmem>>, vector<512x128xf32>
    tpu.vector_store %arg8[%swap3A_396, %swap3A_397], %select_n3A_395 {strides = array<i32>} : memref<512x1920xf32, #tpu.memory_space<vmem>>, vector<512x128xf32>,
    %get3A_399 = arith.constant 0 : index
    %get3A_400 = arith.constant 1024 : index
    %get3A_401 = vector.load %arg8[%get3A_399, %get3A_400] : memref<512x1920xf32, #tpu.memory_space<vmem>>, vector<512x128xf32>
    %add3A_402 = arith.constant 16 : i32
    %add3A_403 = vector.broadcast %add3A_402 : i32 to vector<512x128xi32>
    %add3A_404 = arith.addi %convert_element_type3A_235, %add3A_403 : vector<512x128xi32>
    %lt3A_405 = arith.constant 0 : i32
    %lt3A_406 = vector.broadcast %lt3A_405 : i32 to vector<512x128xi32>
    %lt3A_407 = arith.cmpi slt, %add3A_404, %lt3A_406 : vector<512x128xi32>
    %add3A_408 = arith.constant 128 : i32
    %add3A_409 = vector.broadcast %add3A_408 : i32 to vector<512x128xi32>
    %add3A_410 = arith.addi %add3A_404, %add3A_409 : vector<512x128xi32>
    %select_n3A_411 = arith.select %lt3A_407, %add3A_410, %add3A_404 : vector<512x128xi1>, vector<512x128xi32>
    %reshape3A_412 = vector.shape_cast %select_n3A_411 : vector<512x128xi32> to vector<512x128x1xi32>
    %gather3A_413 = vector.shape_cast %reshape3A_412 : vector<512x128x1xi32> to vector<512x128xi32>
    %gather3A_414 = tpu.dynamic_gather %pad3A_239[%gather3A_413] in [1] : vector<512x128xf32>, vector<512x128xi32> -> vector<512x128xf32>
    %select_n3A_415 = arith.select %eq3A_232, %gather3A_414, %get3A_401 : vector<512x128xi1>, vector<512x128xf32>
    %swap3A_416 = arith.constant 0 : index
    %swap3A_417 = arith.constant 1024 : index
    %swap3A_418 = vector.load %arg8[%swap3A_416, %swap3A_417] : memref<512x1920xf32, #tpu.memory_space<vmem>>, vector<512x128xf32>
    tpu.vector_store %arg8[%swap3A_416, %swap3A_417], %select_n3A_415 {strides = array<i32>} : memref<512x1920xf32, #tpu.memory_space<vmem>>, vector<512x128xf32>,
    %get3A_419 = arith.constant 0 : index
    %get3A_420 = arith.constant 1152 : index
    %get3A_421 = vector.load %arg8[%get3A_419, %get3A_420] : memref<512x1920xf32, #tpu.memory_space<vmem>>, vector<512x128xf32>
    %add3A_422 = arith.constant 18 : i32
    %add3A_423 = vector.broadcast %add3A_422 : i32 to vector<512x128xi32>
    %add3A_424 = arith.addi %convert_element_type3A_235, %add3A_423 : vector<512x128xi32>
    %lt3A_425 = arith.constant 0 : i32
    %lt3A_426 = vector.broadcast %lt3A_425 : i32 to vector<512x128xi32>
    %lt3A_427 = arith.cmpi slt, %add3A_424, %lt3A_426 : vector<512x128xi32>
    %add3A_428 = arith.constant 128 : i32
    %add3A_429 = vector.broadcast %add3A_428 : i32 to vector<512x128xi32>
    %add3A_430 = arith.addi %add3A_424, %add3A_429 : vector<512x128xi32>
    %select_n3A_431 = arith.select %lt3A_427, %add3A_430, %add3A_424 : vector<512x128xi1>, vector<512x128xi32>
    %reshape3A_432 = vector.shape_cast %select_n3A_431 : vector<512x128xi32> to vector<512x128x1xi32>
    %gather3A_433 = vector.shape_cast %reshape3A_432 : vector<512x128x1xi32> to vector<512x128xi32>
    %gather3A_434 = tpu.dynamic_gather %pad3A_239[%gather3A_433] in [1] : vector<512x128xf32>, vector<512x128xi32> -> vector<512x128xf32>
    %select_n3A_435 = arith.select %eq3A_232, %gather3A_434, %get3A_421 : vector<512x128xi1>, vector<512x128xf32>
    %swap3A_436 = arith.constant 0 : index
    %swap3A_437 = arith.constant 1152 : index
    %swap3A_438 = vector.load %arg8[%swap3A_436, %swap3A_437] : memref<512x1920xf32, #tpu.memory_space<vmem>>, vector<512x128xf32>
    tpu.vector_store %arg8[%swap3A_436, %swap3A_437], %select_n3A_435 {strides = array<i32>} : memref<512x1920xf32, #tpu.memory_space<vmem>>, vector<512x128xf32>,
    %get3A_439 = arith.constant 0 : index
    %get3A_440 = arith.constant 1280 : index
    %get3A_441 = vector.load %arg8[%get3A_439, %get3A_440] : memref<512x1920xf32, #tpu.memory_space<vmem>>, vector<512x128xf32>
    %add3A_442 = arith.constant 20 : i32
    %add3A_443 = vector.broadcast %add3A_442 : i32 to vector<512x128xi32>
    %add3A_444 = arith.addi %convert_element_type3A_235, %add3A_443 : vector<512x128xi32>
    %lt3A_445 = arith.constant 0 : i32
    %lt3A_446 = vector.broadcast %lt3A_445 : i32 to vector<512x128xi32>
    %lt3A_447 = arith.cmpi slt, %add3A_444, %lt3A_446 : vector<512x128xi32>
    %add3A_448 = arith.constant 128 : i32
    %add3A_449 = vector.broadcast %add3A_448 : i32 to vector<512x128xi32>
    %add3A_450 = arith.addi %add3A_444, %add3A_449 : vector<512x128xi32>
    %select_n3A_451 = arith.select %lt3A_447, %add3A_450, %add3A_444 : vector<512x128xi1>, vector<512x128xi32>
    %reshape3A_452 = vector.shape_cast %select_n3A_451 : vector<512x128xi32> to vector<512x128x1xi32>
    %gather3A_453 = vector.shape_cast %reshape3A_452 : vector<512x128x1xi32> to vector<512x128xi32>
    %gather3A_454 = tpu.dynamic_gather %pad3A_239[%gather3A_453] in [1] : vector<512x128xf32>, vector<512x128xi32> -> vector<512x128xf32>
    %select_n3A_455 = arith.select %eq3A_232, %gather3A_454, %get3A_441 : vector<512x128xi1>, vector<512x128xf32>
    %swap3A_456 = arith.constant 0 : index
    %swap3A_457 = arith.constant 1280 : index
    %swap3A_458 = vector.load %arg8[%swap3A_456, %swap3A_457] : memref<512x1920xf32, #tpu.memory_space<vmem>>, vector<512x128xf32>
    tpu.vector_store %arg8[%swap3A_456, %swap3A_457], %select_n3A_455 {strides = array<i32>} : memref<512x1920xf32, #tpu.memory_space<vmem>>, vector<512x128xf32>,
    %get3A_459 = arith.constant 0 : index
    %get3A_460 = arith.constant 1408 : index
    %get3A_461 = vector.load %arg8[%get3A_459, %get3A_460] : memref<512x1920xf32, #tpu.memory_space<vmem>>, vector<512x128xf32>
    %add3A_462 = arith.constant 22 : i32
    %add3A_463 = vector.broadcast %add3A_462 : i32 to vector<512x128xi32>
    %add3A_464 = arith.addi %convert_element_type3A_235, %add3A_463 : vector<512x128xi32>
    %lt3A_465 = arith.constant 0 : i32
    %lt3A_466 = vector.broadcast %lt3A_465 : i32 to vector<512x128xi32>
    %lt3A_467 = arith.cmpi slt, %add3A_464, %lt3A_466 : vector<512x128xi32>
    %add3A_468 = arith.constant 128 : i32
    %add3A_469 = vector.broadcast %add3A_468 : i32 to vector<512x128xi32>
    %add3A_470 = arith.addi %add3A_464, %add3A_469 : vector<512x128xi32>
    %select_n3A_471 = arith.select %lt3A_467, %add3A_470, %add3A_464 : vector<512x128xi1>, vector<512x128xi32>
    %reshape3A_472 = vector.shape_cast %select_n3A_471 : vector<512x128xi32> to vector<512x128x1xi32>
    %gather3A_473 = vector.shape_cast %reshape3A_472 : vector<512x128x1xi32> to vector<512x128xi32>
    %gather3A_474 = tpu.dynamic_gather %pad3A_239[%gather3A_473] in [1] : vector<512x128xf32>, vector<512x128xi32> -> vector<512x128xf32>
    %select_n3A_475 = arith.select %eq3A_232, %gather3A_474, %get3A_461 : vector<512x128xi1>, vector<512x128xf32>
    %swap3A_476 = arith.constant 0 : index
    %swap3A_477 = arith.constant 1408 : index
    %swap3A_478 = vector.load %arg8[%swap3A_476, %swap3A_477] : memref<512x1920xf32, #tpu.memory_space<vmem>>, vector<512x128xf32>
    tpu.vector_store %arg8[%swap3A_476, %swap3A_477], %select_n3A_475 {strides = array<i32>} : memref<512x1920xf32, #tpu.memory_space<vmem>>, vector<512x128xf32>,
    %get3A_479 = arith.constant 0 : index
    %get3A_480 = arith.constant 1536 : index
    %get3A_481 = vector.load %arg8[%get3A_479, %get3A_480] : memref<512x1920xf32, #tpu.memory_space<vmem>>, vector<512x128xf32>
    %add3A_482 = arith.constant 24 : i32
    %add3A_483 = vector.broadcast %add3A_482 : i32 to vector<512x128xi32>
    %add3A_484 = arith.addi %convert_element_type3A_235, %add3A_483 : vector<512x128xi32>
    %lt3A_485 = arith.constant 0 : i32
    %lt3A_486 = vector.broadcast %lt3A_485 : i32 to vector<512x128xi32>
    %lt3A_487 = arith.cmpi slt, %add3A_484, %lt3A_486 : vector<512x128xi32>
    %add3A_488 = arith.constant 128 : i32
    %add3A_489 = vector.broadcast %add3A_488 : i32 to vector<512x128xi32>
    %add3A_490 = arith.addi %add3A_484, %add3A_489 : vector<512x128xi32>
    %select_n3A_491 = arith.select %lt3A_487, %add3A_490, %add3A_484 : vector<512x128xi1>, vector<512x128xi32>
    %reshape3A_492 = vector.shape_cast %select_n3A_491 : vector<512x128xi32> to vector<512x128x1xi32>
    %gather3A_493 = vector.shape_cast %reshape3A_492 : vector<512x128x1xi32> to vector<512x128xi32>
    %gather3A_494 = tpu.dynamic_gather %pad3A_239[%gather3A_493] in [1] : vector<512x128xf32>, vector<512x128xi32> -> vector<512x128xf32>
    %select_n3A_495 = arith.select %eq3A_232, %gather3A_494, %get3A_481 : vector<512x128xi1>, vector<512x128xf32>
    %swap3A_496 = arith.constant 0 : index
    %swap3A_497 = arith.constant 1536 : index
    %swap3A_498 = vector.load %arg8[%swap3A_496, %swap3A_497] : memref<512x1920xf32, #tpu.memory_space<vmem>>, vector<512x128xf32>
    tpu.vector_store %arg8[%swap3A_496, %swap3A_497], %select_n3A_495 {strides = array<i32>} : memref<512x1920xf32, #tpu.memory_space<vmem>>, vector<512x128xf32>,
    %get3A_499 = arith.constant 0 : index
    %get3A_500 = arith.constant 1664 : index
    %get3A_501 = vector.load %arg8[%get3A_499, %get3A_500] : memref<512x1920xf32, #tpu.memory_space<vmem>>, vector<512x128xf32>
    %add3A_502 = arith.constant 26 : i32
    %add3A_503 = vector.broadcast %add3A_502 : i32 to vector<512x128xi32>
    %add3A_504 = arith.addi %convert_element_type3A_235, %add3A_503 : vector<512x128xi32>
    %lt3A_505 = arith.constant 0 : i32
    %lt3A_506 = vector.broadcast %lt3A_505 : i32 to vector<512x128xi32>
    %lt3A_507 = arith.cmpi slt, %add3A_504, %lt3A_506 : vector<512x128xi32>
    %add3A_508 = arith.constant 128 : i32
    %add3A_509 = vector.broadcast %add3A_508 : i32 to vector<512x128xi32>
    %add3A_510 = arith.addi %add3A_504, %add3A_509 : vector<512x128xi32>
    %select_n3A_511 = arith.select %lt3A_507, %add3A_510, %add3A_504 : vector<512x128xi1>, vector<512x128xi32>
    %reshape3A_512 = vector.shape_cast %select_n3A_511 : vector<512x128xi32> to vector<512x128x1xi32>
    %gather3A_513 = vector.shape_cast %reshape3A_512 : vector<512x128x1xi32> to vector<512x128xi32>
    %gather3A_514 = tpu.dynamic_gather %pad3A_239[%gather3A_513] in [1] : vector<512x128xf32>, vector<512x128xi32> -> vector<512x128xf32>
    %select_n3A_515 = arith.select %eq3A_232, %gather3A_514, %get3A_501 : vector<512x128xi1>, vector<512x128xf32>
    %swap3A_516 = arith.constant 0 : index
    %swap3A_517 = arith.constant 1664 : index
    %swap3A_518 = vector.load %arg8[%swap3A_516, %swap3A_517] : memref<512x1920xf32, #tpu.memory_space<vmem>>, vector<512x128xf32>
    tpu.vector_store %arg8[%swap3A_516, %swap3A_517], %select_n3A_515 {strides = array<i32>} : memref<512x1920xf32, #tpu.memory_space<vmem>>, vector<512x128xf32>,
    %get3A_519 = arith.constant 0 : index
    %get3A_520 = arith.constant 1792 : index
    %get3A_521 = vector.load %arg8[%get3A_519, %get3A_520] : memref<512x1920xf32, #tpu.memory_space<vmem>>, vector<512x128xf32>
    %add3A_522 = arith.constant 28 : i32
    %add3A_523 = vector.broadcast %add3A_522 : i32 to vector<512x128xi32>
    %add3A_524 = arith.addi %convert_element_type3A_235, %add3A_523 : vector<512x128xi32>
    %lt3A_525 = arith.constant 0 : i32
    %lt3A_526 = vector.broadcast %lt3A_525 : i32 to vector<512x128xi32>
    %lt3A_527 = arith.cmpi slt, %add3A_524, %lt3A_526 : vector<512x128xi32>
    %add3A_528 = arith.constant 128 : i32
    %add3A_529 = vector.broadcast %add3A_528 : i32 to vector<512x128xi32>
    %add3A_530 = arith.addi %add3A_524, %add3A_529 : vector<512x128xi32>
    %select_n3A_531 = arith.select %lt3A_527, %add3A_530, %add3A_524 : vector<512x128xi1>, vector<512x128xi32>
    %reshape3A_532 = vector.shape_cast %select_n3A_531 : vector<512x128xi32> to vector<512x128x1xi32>
    %gather3A_533 = vector.shape_cast %reshape3A_532 : vector<512x128x1xi32> to vector<512x128xi32>
    %gather3A_534 = tpu.dynamic_gather %pad3A_239[%gather3A_533] in [1] : vector<512x128xf32>, vector<512x128xi32> -> vector<512x128xf32>
    %select_n3A_535 = arith.select %eq3A_232, %gather3A_534, %get3A_521 : vector<512x128xi1>, vector<512x128xf32>
    %swap3A_536 = arith.constant 0 : index
    %swap3A_537 = arith.constant 1792 : index
    %swap3A_538 = vector.load %arg8[%swap3A_536, %swap3A_537] : memref<512x1920xf32, #tpu.memory_space<vmem>>, vector<512x128xf32>
    tpu.vector_store %arg8[%swap3A_536, %swap3A_537], %select_n3A_535 {strides = array<i32>} : memref<512x1920xf32, #tpu.memory_space<vmem>>, vector<512x128xf32>,
    %swap3A_539 = arith.constant 0 : index
    %swap3A_540 = arith.constant 0 : index
    %swap3A_541 = vector.load %arg7[%swap3A_539, %swap3A_540] : memref<512x30xf32, #tpu.memory_space<vmem>>, vector<512x30xf32>
    tpu.vector_store %arg7[%swap3A_539, %swap3A_540], %max3A_228 {strides = array<i32>} : memref<512x30xf32, #tpu.memory_space<vmem>>, vector<512x30xf32>,
    return
  }
  func.func @transform_0(%arg0: i32, %arg1: i32) -> (i32, i32, i32) {
    %c0_i32 = arith.constant 0 : i32
    %c0_i32_0 = arith.constant 0 : i32
    return %arg1, %arg0, %c0_i32 : i32, i32, i32
  }
  func.func @transform_1(%arg0: i32, %arg1: i32) -> (i32, i32, i32) {
    %c0_i32 = arith.constant 0 : i32
    %c0_i32_0 = arith.constant 0 : i32
    return %arg1, %arg0, %c0_i32 : i32, i32, i32
  }
  func.func @transform_2(%arg0: i32, %arg1: i32) -> (i32, i32) {
    %c0_i32 = arith.constant 0 : i32
    %c0_i32_0 = arith.constant 0 : i32
    %c0_i32_1 = arith.constant 0 : i32
    return %c0_i32, %c0_i32_0 : i32, i32
  }
  func.func @transform_3(%arg0: i32, %arg1: i32) -> (i32, i32) {
    %c0_i32 = arith.constant 0 : i32
    %c0_i32_0 = arith.constant 0 : i32
    %c0_i32_1 = arith.constant 0 : i32
    return %c0_i32, %c0_i32_0 : i32, i32
  }
  func.func @transform_4(%arg0: i32, %arg1: i32) -> (i32, i32) {
    %c0_i32 = arith.constant 0 : i32
    %c0_i32_0 = arith.constant 0 : i32
    %c0_i32_1 = arith.constant 0 : i32
    return %c0_i32, %c0_i32_0 : i32, i32
  }
  func.func @transform_5(%arg0: i32, %arg1: i32) -> (i32, i32) {
    %c0_i32 = arith.constant 0 : i32
    %c0_i32_0 = arith.constant 0 : i32
    return %arg0, %c0_i32 : i32, i32
  }
}

</mosaic_0001>

<sc_bundles>
// kernel: kernel.5.cloned.1.call-start
scs
__scs_entry_jumppad:
0x0: {  	(pc) =	sbr.rel $0x88, $3  }
0x1: {  	(tag) =	ssettag $0x0;
	lr =	simm.s32 $0x1  }
0x2: {  	[smem:$0x3F9A] =	sst lr;
	_ =	strace $0xD0000000  }
0x3: {  	_ = 	snop  }
0x4: {  	_ = 	snop  }
0x5: {  	_ = 	snop  }
0x6: {  	_ = 	snop  }
0x7: {  	_ = 	snop  }
__scs_overlays_trampoline_lowered:
0x8: {  	[smem:$0x3FA9] =	sst s0  }
0x9: {  	[smem:$0x3FAA] =	sst s1  }
0xa: {  	[smem:$0x3FAB] =	sst s2  }
0xb: {  	[smem:$0x3FAC] =	sst s3  }
0xc: {  	[smem:$0x3FAD] =	sst s4  }
0xd: {  	[smem:$0x3FAE] =	sst s5  }
0xe: {  	[smem:$0x3FAF] =	sst s6  }
0xf: {  	[smem:$0x3FB0] =	sst s7  }
0x10: {  	[smem:$0x3FB1] =	sst s8  }
0x11: {  	[smem:$0x3FB2] =	sst s9;
	s0 =	simm.s32 @!p0 $0x0  }
0x12: {  	s1 =	sld [smem:$0x3F98];
	s0 =	simm.s32 @p0 $0x1  }
0x13: {  	[smem:$0x3FB3] =	sst s0;
	s0 =	simm.s32 @!p1 $0x0  }
0x14: {  	s2 =	sld [smem:$0x3F97];
	s0 =	simm.s32 @p1 $0x1  }
0x15: {  	[smem:$0x3FB4] =	sst s0;
	s0 =	simm.s32 @!p2 $0x0  }
0x16: {  	s3 =	sld [smem:$0x3FDB];
	s0 =	simm.s32 @p2 $0x1  }
0x17: {  	s4 =	simm.s32 $0x1BF5;
	[smem:$0x3FB6] =	sst s0  }
0x18: {  	s0 =	sld [smem:$0x3F99];
	_ =	swait.ge [sflag:s4], $0x0  }
0x19: {  	s7 =	sld [smem:$0x3F9A]  }
0x1a: {  	s8 =	sadd.s32 $0xFFFFE003, lr  }
0x1b: {  	s9 =	sadd.s32 $0xFFFFFEF7, lr;
	s5 =	simm.s32 $0xFFFFFFFF;
	p2 =	slt.u32 s8, $0xFFFFF086  }
0x1c: {  	p1 =	slt.u32 s9, $0xF7A;
	s5 =	simm.s32 @!p2 $0x0  }
0x1d: {  	s5 =	simm.s32 @p1 $0x1;
	p0 =	seq.s32 s7, s2  }
0x1e: {  	s7 =	smul.u32 @!p0 $0xF7A, s2;
	p2 =	seq.s32 @!p0 s5, $0x0  }
0x1f: {  	s9 =	smul.u32 $0xF7A, s1;
	s8 =	simm.s32 @!p0 $0x1BF5;
	p2 =	por !p2, p0  }
0x20: {  	[sflag:s8] =	ssyncset.s32 @!p0 $0xFFFFF086;
	s6 =	sadd.s32 @!p0 s3, s7;
	s7 =	simm.s32 @!p0 $0x108  }
0x21: {  	s3 =	sadd.s32 s3, s9;
	s6 =	sadd.s32 @!p0 $0x88, s6;
	s7 =	simm.s32 @p2 $0x1082  }
0x22: {  	[simem:s7], [sflag:s8] =	dma.local @!p0 [hbm:s6], $0xF7A  }
0x23: {  	s9 =	sor.u32 $0xD0000000, s2;
	s6 =	simm.s32 $0x108;
	_ =	swait.ge @!p0 [sflag:s8], $0x0  }
0x24: {  	s3 =	sadd.s32 $0x88, s3;
	s6 =	simm.s32 @!p1 $0x1082;
	[sflag:s4] =	ssyncset.s32 $0xFFFFF086  }
0x25: {  	[simem:s6], [sflag:s4] =	dma.local [hbm:s3], $0xF7A  }
0x26: {  	[smem:$0x3F9A] =	sst s1;
	(tag) =	ssettag s2;
	_ =	strace s9  }
0x27: {  	s1 =	sld [smem:$0x3FAA]  }
0x28: {  	s2 =	sld [smem:$0x3FAB]  }
0x29: {  	s4 =	sld [smem:$0x3FAD]  }
0x2a: {  	p0 =	seq.s32 s5, $0x0;
	s5 =	sld [smem:$0x3FAE]  }
0x2b: {  	s6 =	sld [smem:$0x3FAF]  }
0x2c: {  	s7 =	sld [smem:$0x3FB0]  }
0x2d: {  	s3 =	simm.s32 $0x108;
	s8 =	sld [smem:$0x3FB1]  }
0x2e: {  	s3 =	simm.s32 @!p0 $0x1082;
	s9 =	sld [smem:$0x3FB2]  }
0x2f: {  	lr =	sadd.s32 s0, s3;
	s0 =	sld [smem:$0x3FA9]  }
0x30: {  	s3 =	sld [smem:$0x3FAC]  }
0x31: {  	[smem:$0x3FB5] =	sst s10  }
0x32: {  	s10 =	sld [smem:$0x3FB3];
	_ =	sdelay $0x3  }
0x33: {  	p0 =	seq.s32 s10, $0x1;
	s10 =	sld [smem:$0x3FB5];
	_ =	sdelay $0x3  }
0x34: {  	[smem:$0x3FB5] =	sst s10  }
0x35: {  	s10 =	sld [smem:$0x3FB4];
	_ =	sdelay $0x3  }
0x36: {  	p1 =	seq.s32 s10, $0x1;
	s10 =	sld [smem:$0x3FB5];
	_ =	sdelay $0x3  }
0x37: {  	[smem:$0x3FB5] =	sst s10  }
0x38: {  	s10 =	sld [smem:$0x3FB6]  }
0x39: {  	_ = 	snop;
	(pc) =	sbr.ind lr, $3  }
0x3a: {  	_ = 	snop  }
0x3b: {  	_ = 	snop  }
0x3c: {  	p2 =	seq.s32 s10, $0x1;
	s10 =	sld [smem:$0x3FB5]  }
0x3d: {  	_ =	shalt  }
0x3e: {  	_ =	shalt  }
0x3f: {  	_ =	shalt  }
0x40: {  	_ =	shalt  }
0x41: {  	_ =	shalt  }
0x42: {  	_ =	shalt  }
0x43: {  	_ =	shalt  }
0x44: {  	_ =	shalt  }
0x45: {  	_ =	shalt  }
0x46: {  	_ =	shalt  }
0x47: {  	_ =	shalt  }
0x48: {  	_ =	shalt  }
0x49: {  	_ =	shalt  }
0x4a: {  	_ =	shalt  }
0x4b: {  	_ =	shalt  }
0x4c: {  	_ =	shalt  }
0x4d: {  	_ =	shalt  }
0x4e: {  	_ =	shalt  }
0x4f: {  	_ =	shalt  }
0x50: {  	_ =	shalt  }
0x51: {  	_ =	shalt  }
0x52: {  	_ =	shalt  }
0x53: {  	_ =	shalt  }
0x54: {  	_ =	shalt  }
0x55: {  	_ =	shalt  }
0x56: {  	_ =	shalt  }
0x57: {  	_ =	shalt  }
0x58: {  	_ =	shalt  }
0x59: {  	_ =	shalt  }
0x5a: {  	_ =	shalt  }
0x5b: {  	_ =	shalt  }
0x5c: {  	_ =	shalt  }
0x5d: {  	_ =	shalt  }
0x5e: {  	_ =	shalt  }
0x5f: {  	_ =	shalt  }
0x60: {  	_ =	shalt  }
0x61: {  	_ =	shalt  }
0x62: {  	_ =	shalt  }
0x63: {  	_ =	shalt  }
0x64: {  	_ =	shalt  }
0x65: {  	_ =	shalt  }
0x66: {  	_ =	shalt  }
0x67: {  	_ =	shalt  }
0x68: {  	_ =	shalt  }
0x69: {  	_ =	shalt  }
0x6a: {  	_ =	shalt  }
0x6b: {  	_ =	shalt  }
0x6c: {  	_ =	shalt  }
0x6d: {  	_ =	shalt  }
0x6e: {  	_ =	shalt  }
0x6f: {  	_ =	shalt  }
0x70: {  	_ =	shalt  }
0x71: {  	_ =	shalt  }
0x72: {  	_ =	shalt  }
0x73: {  	_ =	shalt  }
0x74: {  	_ =	shalt  }
0x75: {  	_ =	shalt  }
0x76: {  	_ =	shalt  }
0x77: {  	_ =	shalt  }
0x78: {  	_ =	shalt  }
0x79: {  	_ =	shalt  }
0x7a: {  	_ =	shalt  }
0x7b: {  	_ =	shalt  }
0x7c: {  	_ =	shalt  }
0x7d: {  	_ =	shalt  }
0x7e: {  	_ =	shalt  }
0x7f: {  	_ =	shalt  }
0x80: {  	_ =	shalt  }
0x81: {  	_ =	shalt  }
0x82: {  	_ =	shalt  }
0x83: {  	_ =	shalt  }
0x84: {  	_ =	shalt  }
0x85: {  	_ =	shalt  }
0x86: {  	_ =	shalt  }
0x87: {  	_ =	shalt  }
.Lfunc_end0:
.L_simem_size_0:
called_computation_lowered:
.L_overlay_start_0:
0x88: {  	s2 =	sld [smem:$0x3FD9]  }
0x89: {  	s3 =	sld [smem:$0x3FFE];
	_ =	sdelay $0x1  }
0x8a: {  	s1 =	srdreg.scid  }
0x8b: {  	s0 =	sand.u32 $0x1, s1  }
0x8c: {  	s16 =	sshll.u32 s0, $0xA;
	s2 =	sadd.s32 s3, s2  }
0x8d: {  	s2 =	sadd.s32 s2, s16  }
0x8e: {  	[smem:$0x3FC1] =	sst s2  }
0x8f: {  	_ = 	snop  }
0x90: {  	(tm) =	ssettm $0x1  }
0x91: {  	s17 =	sld [smem:$0x3FFB];
	_ =	sdelay $0x3  }
0x92: {  	_ =	strace s17  }
0x93: {  	s2 =	sld [smem:$0x3FFC];
	_ =	sdelay $0x3  }
0x94: {  	_ =	strace s2  }
0x95: {  	s2 =	sld [smem:$0x3FFD];
	_ =	sdelay $0x3  }
0x96: {  	_ =	strace s2  }
0x97: {  	_ =	strace $0x8FFFFFFF  }
0x98: {  	s18 =	sld [smem:$0x3FDB];
	_ =	sdelay $0x1  }
0x99: {  	s19 =	simm.s32 $_scs_section_size  }
0x9a: {  	s4 =	simm.s32 $_size__tile_overlayer_lowered;
	s5 =	simm.s32 $_tile_overlayer_lowered  }
0x9b: {  	s22 =	simm.s32 $0x1BFF;
	s21 =	sshll.u32 s5, $0x1;
	s2 =	sadd.s32 s19, s18  }
0x9c: {  	s6 =	simm.s32 $0x0;
	s20 =	sshll.u32 s4, $0x1;
	s4 =	sadd.s32 s21, s2  }
0x9d: {  	[timem:s6], [sflag:s22] =	dma.local [hbm:s4], s20  }
0x9e: {  	_ =	swait.ge [sflag:s22], s20  }
0x9f: {  	s3 =	ssub.s32 $0x0, s20;
	[sflag:s22] =	ssyncset.done $0x0  }
0xa0: {  	[sflag:s22] =	ssyncadd.s32 s3;
	_ =	sdelay $0x1  }
0xa1: {  	s23 =	simm.s32 $0x1B8B  }
0xa2: {  	_ =	swait.ge [sflag:s23], $0x1  }
0xa3: {  	[sflag:s23] =	ssyncset.done $0x0  }
0xa4: {  	s25 =	simm.s32 $0x1B8E;
	s24 =	sld [smem:$0x3FFE];
	[sflag:s23] =	ssyncadd.s32 $0xFFFFFFFF  }
0xa5: {  	s26 =	simm.s32 $execute0_lowered;
	[smem:$0x3FD2] =	sst s25  }
0xa6: {  	s4 =	sshll.u32 s26, $0x1;
	_ =	strace $0x80000046;
	[dreg:$0x1] =	wrdreg $0xFFFFFFFF  }
0xa7: {  	s28 =	simm.s32 $_size_execute0_lowered;
	s2 =	sadd.s32 s2, s4;
	[dreg:$0x0] =	wrdreg $0x0  }
0xa8: {  	s4 =	sshll.u32 s28, $0x1;
	[dreg:$0x2] =	wrdreg s2  }
0xa9: {  	[dreg:$0x3] =	wrdreg s4  }
0xaa: {  	[dreg:$0x4] =	wrdreg $0xC0  }
0xab: {  	_ =	task [dreg:s6], $0x5FFFF  }
0xac: {  	[dreg:$0x1] =	wrdreg $0xFFFFFFFF  }
0xad: {  	[dreg:$0x0] =	wrdreg $0x60  }
0xae: {  	[dreg:$0x2] =	wrdreg s24  }
0xaf: {  	[dreg:$0x3] =	wrdreg $0x9  }
0xb0: {  	_ =	task.clear_ibuf [dreg:s6], $0x4FFFF;
	_ =	strace $0x90000046  }
0xb1: {  	s29 =	simm.s32 $0x9;
	_ =	strace $0x8000004F  }
0xb2: {  	_ =	swait.ge [sflag:s29], $0x1  }
0xb3: {  	[sflag:s29] =	ssyncadd.s32 $0xFFFFFFFF  }
0xb4: {  	_ =	strace $0x9000004F  }
0xb5: {  	_ =	sfence  }
0xb6: {  	s30 =	sld [smem:$0x0];
	_ =	sdelay $0x2  }
0xb7: {  	s31 =	sshll.u32 s1, $0xD;
	s1 =	sshrl.u32 s1, $0x2  }
0xb8: {  	s3 =	sand.u32 $0x4000, s31;
	s1 =	sadd.s32 s1, s30  }
0xb9: {  	s0 =	sor.u32 s3, s0;
	s1 =	sshll.u32 s1, $0x11  }
0xba: {  	s0 =	sor.u32 s1, s0  }
0xbb: {  	s0 =	sadd.s32 $0x8F2B, s0  }
0xbc: {  	[sflag:s0] =	ssyncadd.remote.s32 $0x1  }
0xbd: {  	_ =	sfence.sel $0xFFFF  }
0xbe: {  	[dreg:$0x0] =	wrdreg $0xFFFFFFFF;
	(pc) =	sbr.abs _section_cstart, $3  }
0xbf: {  	[dreg:$0x1] =	wrdreg $0xFFFFFFFF  }
0xc0: {  	_ =	task.clear_ibuf [dreg:s6], $0x2FFFF;
	_ =	strace $0x9FFFFFFF  }
0xc1: {  	(tm) =	ssettm $0x7FFFFFFF  }
tec
execute0_lowered:
.L_overlay_start_1:
0x0: {  	(tag) =	ssettag $0x1  }
0x1: {  	s4 =	rddreg [dreg:$0x0];
	s1 =	srdreg.scid  }
0x2: {  	s0 =	rddreg [dreg:$0x1];
	s2 =	simm.s32 $0x0;
	s9 =	simm.s32 $0x1  }
0x3: {  	s10 =	simm.s32 $0x80;
	s11 =	simm.s32 $0x0;
	s5 =	sand.u32 $0x1, s1  }
0x4: {  	s1 =	stileid.u32;
	[smem:$0x7FF] =	sst s2;
	s3 =	sshll.u32 s5, $0x4  }
0x5: {  	s6 =	sadd.s32 $0x14800, s4;
	s8 =	sadd.s32 $0x2D800, s4;
	s3 =	sor.u32 s1, s3  }
0x6: {  	_ =	strace $0x80000047;
	[dreg:$0x2] =	wrdreg s6;
	s7 =	smul.u32 $0x9C, s3  }
0x7: {  	s4 =	sadd.s32 $0xE00, s4;
	[dreg:$0x4] =	wrdreg s8;
	s6 =	smul.u32 $0x9D, s3  }
0x8: {  	s29 =	ssub.s32 $0x2, s5;
	p0 =	slt.u32 s3, $0x8;
	s3 =	sadd.s32 $0x8, s7  }
0x9: {  	s5 =	simm.s32 $0x9D;
	[dreg:$0x3] =	wrdreg s10;
	s3 =	smov.u32 @p0 s6  }
0xa: {  	s10 =	simm.s32 $0x5;
	s31 =	sshrl.u32 s29, $0x1;
	s30 =	sshll.u32 s3, $0x4  }
0xb: {  	s8 =	ssub.s32 s29, s31;
	s5 =	simm.s32 @!p0 $0x9C;
	s7 =	sand.u32 $0x1FFFFFF0, s30  }
0xc: {  	s8 =	smax.u32 s8, $0x1;
	s6 =	sadd.s32 s4, s7;
	s7 =	sadd.s32 $0xFFFFFFFF, s5  }
.LBB2_1:
0xd: {  	_ =	strace $0x80000048;
	p2 =	sne.s32 s5, $0x1  }
.Ltmp0:
0xe: {  	p0 =	seq.s32 s5, $0x1;
	s13 =	simm.s32 $0x1;
	(pc) =	sbr.rel @!p2 .LBB2_2-.Ltmp0, $4  }
0xf: {  	[tilespmem:s2], [sflag:$0x1] =	stream.linear.gather [hbm4b:s6+s2], $0x80, $0x200038;
	[tilespmem:$0x4100] =	vst v63  }
0x10: {  	s12 =	simm.s32 $0x1;
	p1 =	por $0x1, $0x1;
	s13 =	simm.s32 @p0 $0x0  }
0x11: {  	p6 =	sgt.u32 s7, $0x0;
	p4 =	por p1, p1;
	p3 =	sne.s32 s13, $0x0  }
0x12: {  	_ =	strace $0x90000048;
	p5 =	por !p6, !p3;
	p6 =	por $0x0, $0x0  }
0x13: {  	p2 =	por !p5, !p5  }
0x14: {  	s21 =	sand.u32 $0x1, s2;
	s19 =	simm.s32 $0x2;
	s14 =	sadd.s32 @p2 s3, s13  }
0x15: {  	p1 =	por p3, p3;
	s15 =	sand.u32 @p2 $0x1, s9;
	s14 =	sshll.u32 @p2 s14, $0x4  }
0x16: {  	_ =	strace @p2 $0x80000049;
	s17 =	simm.s32 @p2 $0x0;
	s14 =	sand.u32 @p2 $0x1FFFFFF0, s14  }
0x17: {  	s16 =	sshll.u32 @p2 s15, $0x7;
	s15 =	sadd.s32 @p2 $0x1, s15;
	s14 =	sadd.s32 @p2 s4, s14  }
0x18: {  	[tilespmem:s16], [sflag:s15] =	stream.linear.gather @p2 [hbm4b:s14+s17], $0x80, $0x200038;
	[tilespmem:$0x4100] =	vst v63  }
0x19: {  	s30 =	simm.s32 $0x0;
	p6 =	por $0x0, $0x0;
	_ =	strace @p2 $0x90000049  }
0x1a: {  	p0 =	sne.s32 s5, $0x2;
	s29 =	sadd.s32 $0x1, s21;
	_ =	strace $0x8000004A  }
0x1b: {  	s24 =	sadd.s32 $0x0, s3;
	p5 =	sgt.u32 s7, $0x1;
	_ =	swait.ge [sflag:s29], $0x80  }
0x1c: {  	s23 =	simm.s32 $0x1;
	s22 =	sshll.u32 s21, $0xD;
	[sflag:s29] =	ssyncset.done $0x0  }
0x1d: {  	s22 =	sor.u32 $0x100, s22;
	s16 =	sand.u32 @!p4 $0x1, s2;
	[sflag:s29] =	ssyncadd.s32 $0xFFFFFF80  }
0x1e: {  	s15 =	simm.s32 $0x1;
	s17 =	sadd.s32 $0x1, s13;
	_ =	strace $0x9000004A  }
0x1f: {  	s14 =	sand.u32 $0x80, s30;
	s15 =	simm.s32 @!p2 $0x0;
	_ =	strace $0x8000004B  }
0x20: {  	p2 =	por p4, p4;
	p4 =	por p6, p6;
	s20 =	rddreg [dreg:$0x3]  }
0x21: {  	p3 =	seq.s32 s17, s5;
	p6 =	seq.s32 s7, $0x0;
	s31 =	rddreg [dreg:$0x2]  }
0x22: {  	[tilespmem:s22], [sflag:$0x5] =	stream.indirect.gather [hbm4b:s31+s20], $0x40, s14, s20, $0x2000b8;
	[tilespmem:$0x4100] =	vst v63  }
.Ltmp1:
0x23: {  	s18 =	sadd.s32 $0x1, s15;
	s17 =	simm.s32 @p3 $0x0;
	(pc) =	sbr.rel @!p0 .LBB2_4-.Ltmp1, $4  }
0x24: {  	p1 =	por p6, p1;
	p6 =	por $0x0, $0x0;
	_ =	swait.ge [sflag:s10], $0x2000  }
0x25: {  	s15 =	simm.s32 $0x0;
	p3 =	sne.s32 s13, s17;
	[sflag:s10] =	ssyncset.done $0x0  }
0x26: {  	s23 =	simm.s32 @!p6 $0x0;
	p5 =	por !p5, !p3;
	[sflag:s10] =	ssyncadd.s32 $0xFFFFE000  }
0x27: {  	s14 =	simm.s32 $0x0;
	s20 =	simm.s32 $0x0;
	_ =	strace $0x9000004B  }
.LBB2_5:
0x28: {  	_ =	strace @p1 $0x8000004C;
	s14 =	sadd.s32 s23, s14;
	s23 =	smov.u32 s12  }
0x29: {  	s12 =	smov.u32 s19;
	s19 =	sadd.s32 $0x1, s19;
	p0 =	por p3, p3  }
0x2a: {  	s29 =	sshll.u32 @p1 s24, $0xA;
	s21 =	sadd.s32 @p1 $0x3, s21;
	s25 =	simm.s32 @!p0 $0x0  }
0x2b: {  	s26 =	rddreg [dreg:$0x4];
	s29 =	sand.u32 @p1 $0x1FFFFC00, s29;
	s25 =	simm.s32 @p0 $0x1  }
0x2c: {  	s26 =	sadd.s32 @p1 s26, s29;
	s29 =	simm.s32 @p1 $0x0;
	p0 =	sne.s32 s5, s19  }
0x2d: {  	[hbm4b:s26+s29] =	stream.linear.scatter @p1 [tilespmem:s22], [sflag:s21], $0x2000, $0x200038;
	[tilespmem:$0x4100] =	vst v63  }
0x2e: {  	s21 =	sadd.s32 @!p2 $0x3, s16;
	s16 =	simm.s32 @!p0 $0x0  }
0x2f: {  	s28 =	simm.s32 $0x1;
	[smem:$0x7FC] =	sst s25;
	s16 =	simm.s32 @p0 $0x1  }
0x30: {  	s28 =	simm.s32 @!p1 $0x0;
	_ =	strace @p1 $0x9000004C;
	[smem:$0x7FD] =	sst s16  }
0x31: {  	s20 =	sadd.s32 s28, s20;
	s25 =	sand.u32 @!p4 $0x1, s14;
	_ =	strace @!p2 $0x8000004D  }
0x32: {  	p1 =	por !p5, !p5;
	s16 =	smov.u32 s25;
	_ =	swait.ge @!p2 [sflag:s21], $0x2000  }
0x33: {  	s22 =	sand.u32 @p1 $0x1, s18;
	s25 =	sadd.s32 @p1 s3, s17;
	[sflag:s21] =	ssyncset.done @!p2 $0x0  }
0x34: {  	s26 =	sshll.u32 @p1 s22, $0x7;
	s25 =	sshll.u32 @p1 s25, $0x4;
	[sflag:s21] =	ssyncadd.s32 @!p2 $0xFFFFE000  }
0x35: {  	s21 =	sadd.s32 @p1 $0x1, s22;
	s22 =	sand.u32 @p1 $0x1FFFFFF0, s25;
	_ =	strace @!p2 $0x9000004D  }
0x36: {  	s25 =	simm.s32 @p1 $0x0;
	s22 =	sadd.s32 @p1 s4, s22;
	_ =	strace @p1 $0x80000049  }
0x37: {  	[tilespmem:s26], [sflag:s21] =	stream.linear.gather @p1 [hbm4b:s22+s25], $0x80, $0x200038;
	[tilespmem:$0x4100] =	vst v63  }
0x38: {  	s15 =	sadd.s32 s28, s15;
	s28 =	sand.u32 $0x1, s20;
	_ =	strace @p1 $0x90000049  }
0x39: {  	s28 =	sadd.s32 $0x1, s28;
	_ =	strace $0x8000004A  }
0x3a: {  	_ =	swait.ge [sflag:s28], $0x80  }
0x3b: {  	[sflag:s28] =	ssyncset.done $0x0  }
0x3c: {  	s21 =	simm.s32 $0x1;
	[sflag:s28] =	ssyncadd.s32 $0xFFFFFF80  }
0x3d: {  	s21 =	simm.s32 @!p1 $0x0;
	_ =	strace $0x9000004A  }
0x3e: {  	s18 =	sadd.s32 s21, s18;
	s21 =	sand.u32 $0x1, s15;
	_ =	strace $0x8000004B  }
0x3f: {  	s31 =	sshll.u32 s20, $0x7;
	s29 =	sshll.u32 s21, $0xD;
	s25 =	rddreg [dreg:$0x3]  }
0x40: {  	s31 =	sand.u32 $0x80, s31;
	s22 =	sor.u32 $0x100, s29;
	s26 =	rddreg [dreg:$0x2]  }
0x41: {  	[tilespmem:s22], [sflag:$0x5] =	stream.indirect.gather [hbm4b:s26+s25], $0x40, s31, s25, $0x2000b8;
	[tilespmem:$0x4100] =	vst v63  }
0x42: {  	_ =	swait.ge [sflag:s10], $0x2000  }
0x43: {  	[sflag:s10] =	ssyncset.done $0x0  }
0x44: {  	[sflag:s10] =	ssyncadd.s32 $0xFFFFE000  }
0x45: {  	s30 =	sadd.s32 $0x1, s17;
	_ =	strace $0x9000004B  }
0x46: {  	s24 =	sadd.s32 s3, s13;
	s13 =	smov.u32 s17;
	s31 =	sld [smem:$0x7FD]  }
0x47: {  	p0 =	sne.s32 s23, $0x0;
	s17 =	smov.u32 s30;
	p1 =	seq.s32 s30, s5  }
0x48: {  	s17 =	simm.s32 @p1 $0x0;
	p1 =	seq.s32 s7, s23;
	s23 =	simm.s32 $0x1  }
0x49: {  	s23 =	simm.s32 @!p0 $0x0;
	p0 =	seq.s32 s31, $0x1  }
.Ltmp2:
0x4a: {  	s30 =	sld [smem:$0x7FC];
	(pc) =	sbr.rel @p0 .LBB2_5-.Ltmp2, $4  }
0x4b: {  	p3 =	seq.s32 s12, $0x0  }
0x4c: {  	p6 =	por p3, p3;
	p5 =	slt.u32 s12, s7  }
0x4d: {  	p2 =	por p4, p4;
	p3 =	sne.s32 s13, s17;
	p4 =	seq.s32 s30, $0x1  }
0x4e: {  	p5 =	por !p5, !p3;
	p1 =	por p1, p4;
	p4 =	por p6, p6  }
0x4f: {  	p6 =	por $0x1, $0x1  }
.LBB2_7:
0x50: {  	p0 =	por !p1, !p6  }
0x51: {  	s25 =	simm.s32 $0x1;
	_ =	strace @!p0 $0x8000004C;
	s24 =	sshll.u32 @!p0 s24, $0xA  }
0x52: {  	p2 =	por p2, !p6;
	s19 =	rddreg [dreg:$0x4];
	s24 =	sand.u32 @!p0 $0x1FFFFC00, s24  }
0x53: {  	s21 =	sadd.s32 @!p0 $0x3, s21;
	s19 =	sadd.s32 @!p0 s19, s24;
	s24 =	simm.s32 @!p0 $0x0  }
0x54: {  	[hbm4b:s19+s24] =	stream.linear.scatter @!p0 [tilespmem:s22], [sflag:s21], $0x2000, $0x200038;
	[tilespmem:$0x4100] =	vst v63  }
0x55: {  	p1 =	por !p5, !p5;
	s25 =	simm.s32 @p0 $0x0;
	_ =	strace @!p0 $0x9000004C  }
0x56: {  	s16 =	sadd.s32 @!p2 $0x3, s16;
	s17 =	sadd.s32 @p1 s3, s17;
	_ =	strace @!p2 $0x8000004D  }
0x57: {  	s18 =	sand.u32 @p1 $0x1, s18;
	s17 =	sshll.u32 @p1 s17, $0x4;
	_ =	swait.ge @!p2 [sflag:s16], $0x2000  }
0x58: {  	s17 =	sand.u32 @p1 $0x1FFFFFF0, s17;
	s19 =	sadd.s32 @p6 s25, s20;
	[sflag:s16] =	ssyncset.done @!p2 $0x0  }
0x59: {  	s20 =	simm.s32 $0x0;
	s17 =	sadd.s32 @p1 s4, s17;
	[sflag:s16] =	ssyncadd.s32 @!p2 $0xFFFFE000  }
0x5a: {  	s20 =	smov.u32 @p6 s19;
	s19 =	sshll.u32 @p1 s18, $0x7;
	_ =	strace @!p2 $0x9000004D  }
0x5b: {  	s16 =	sadd.s32 @p1 $0x1, s18;
	s18 =	simm.s32 @p1 $0x0;
	_ =	strace @p1 $0x80000049  }
0x5c: {  	[tilespmem:s19], [sflag:s16] =	stream.linear.gather @p1 [hbm4b:s17+s18], $0x80, $0x200038;
	[tilespmem:$0x4100] =	vst v63  }
0x5d: {  	s26 =	sand.u32 $0x1, s20;
	_ =	strace @p1 $0x90000049  }
0x5e: {  	s16 =	sadd.s32 $0x1, s26;
	_ =	strace $0x8000004A  }
0x5f: {  	_ =	swait.ge [sflag:s16], $0x80  }
0x60: {  	[sflag:s16] =	ssyncset.done $0x0  }
0x61: {  	s15 =	sadd.s32 @p6 s25, s15;
	[sflag:s16] =	ssyncadd.s32 $0xFFFFFF80;
	s16 =	simm.s32 $0x0  }
0x62: {  	_ =	strace $0x9000004A;
	s16 =	smov.u32 @p6 s15  }
0x63: {  	_ =	strace $0x8000004B;
	s16 =	sand.u32 $0x1, s16  }
0x64: {  	s30 =	sshll.u32 s20, $0x7;
	s28 =	rddreg [dreg:$0x3];
	s31 =	sshll.u32 s16, $0xD  }
0x65: {  	s18 =	sand.u32 $0x80, s30;
	s29 =	rddreg [dreg:$0x2];
	s19 =	sor.u32 $0x100, s31  }
0x66: {  	[tilespmem:s19], [sflag:$0x5] =	stream.indirect.gather [hbm4b:s29+s28], $0x40, s18, s28, $0x2000b8;
	[tilespmem:$0x4100] =	vst v63  }
0x67: {  	_ =	swait.ge [sflag:s10], $0x2000  }
0x68: {  	p3 =	por p3, p3;
	[sflag:s10] =	ssyncset.done $0x0  }
0x69: {  	p5 =	seq.s32 s7, s12;
	s13 =	sadd.s32 s3, s13;
	[sflag:s10] =	ssyncadd.s32 $0xFFFFE000  }
0x6a: {  	s14 =	sadd.s32 @p6 s23, s14;
	p1 =	por p5, p3;
	_ =	strace $0x9000004B  }
0x6b: {  	s17 =	simm.s32 $0x0;
	s13 =	sshll.u32 @p1 s13, $0xA;
	_ =	strace @p1 $0x8000004C  }
0x6c: {  	s17 =	smov.u32 @p6 s14;
	s13 =	sand.u32 @p1 $0x1FFFFC00, s13;
	s15 =	rddreg [dreg:$0x4]  }
0x6d: {  	s14 =	sadd.s32 @p1 $0x3, s16;
	s13 =	sadd.s32 @p1 s15, s13;
	s15 =	simm.s32 @p1 $0x0  }
0x6e: {  	[hbm4b:s13+s15] =	stream.linear.scatter @p1 [tilespmem:s19], [sflag:s14], $0x2000, $0x200038;
	[tilespmem:$0x4100] =	vst v63  }
0x6f: {  	p0 =	por p4, p4;
	s13 =	sand.u32 @!p4 $0x1, s17;
	_ =	strace @p1 $0x9000004C  }
0x70: {  	s13 =	sadd.s32 @!p0 $0x3, s13;
	_ =	strace @!p0 $0x8000004D  }
0x71: {  	p1 =	sne.s32 s12, $0x0;
	s12 =	simm.s32 $0x1;
	_ =	swait.ge @!p0 [sflag:s13], $0x2000  }
0x72: {  	s12 =	simm.s32 @!p1 $0x0;
	[sflag:s13] =	ssyncset.done @!p0 $0x0  }
0x73: {  	s11 =	sadd.s32 $0x1, s11;
	s12 =	sadd.s32 s12, s17;
	[sflag:s13] =	ssyncadd.s32 @!p0 $0xFFFFE000  }
0x74: {  	s12 =	sand.u32 $0x1, s12;
	_ =	strace @!p0 $0x9000004D;
	p0 =	sne.s32 s11, s8  }
.Ltmp3:
0x75: {  	s12 =	sadd.s32 $0x3, s12;
	_ =	strace $0x8000004E;
	(pc) =	sbr.rel @p0 .LBB2_1-.Ltmp3, $4  }
.Ltmp4:
0x76: {  	_ =	swait.ge [sflag:s12], $0x2000;
	(pc) =	sbr.rel @!p0 .LBB2_8-.Ltmp4, $4  }
0x77: {  	[sflag:s12] =	ssyncset.done $0x0  }
0x78: {  	[sflag:s12] =	ssyncadd.s32 $0xFFFFE000  }
0x79: {  	_ =	strace $0x9000004E  }
0x7a: {  	_ = 	snop  }
.LBB2_2:
.Ltmp5:
0x7b: {  	(pc) =	sbr.rel .LBB2_7-.Ltmp5, $4  }
0x7c: {  	_ = 	snop  }
0x7d: {  	s14 =	simm.s32 $0x0  }
0x7e: {  	s12 =	simm.s32 $0x0;
	s15 =	simm.s32 $0x0;
	s17 =	smov.u32 s13  }
0x7f: {  	s20 =	simm.s32 $0x0;
	s18 =	simm.s32 $0x1;
	s13 =	simm.s32 $0x0  }
.LBB2_4:
.Ltmp6:
0x80: {  	(pc) =	sbr.rel .LBB2_7-.Ltmp6, $3  }
0x81: {  	_ =	sdelay $0x1  }
0x82: {  	s14 =	simm.s32 $0x0  }
0x83: {  	s15 =	simm.s32 $0x0;
	s20 =	simm.s32 $0x0;
	p6 =	por $0x1, $0x1  }
.LBB2_8:
0x84: {  	_ =	sfence.sel $0x180000  }
0x85: {  	[bflag:$0x0] =	sbarrier.arrive $0xFFFF  }
0x86: {  	p0 =	sne.s32 s1, $0x0;
	_ =	strace $0x90000047  }
0x87: {  	s0 =	sadd.s32 @!p0 $0x100000, s0;
	[bflag:$0x2] =	sbarrier.arrive $0xFFFF  }
0x88: {  	[sflag:s0] =	ssyncadd.tile.s32 @!p0 $0x1;
	_ =	shalt  }
.Lfunc_end2:
_tile_overlayer_lowered:
.L_overlay_start_2:
0x89: {  	(tag) =	ssettag $0x2  }
0x8a: {  	s0 =	rddreg [dreg:$0x0];
	s2 =	stileid.u32  }
0x8b: {  	s1 =	rddreg [dreg:$0x1];
	p0 =	sne.s32 s2, $0x0  }
0x8c: {  	s3 =	rddreg [dreg:$0x2];
	[bflag:$0x3] =	sbarrier.arrive $0xFFFF;
	s2 =	simm.s32 @!p0 $0x1C01  }
0x8d: {  	[timem:s3], [sflag:s2] =	dma.local @!p0 [hbm:s0], s1  }
0x8e: {  	s0 =	simm.s32 @!p0 $0x1  }
0x8f: {  	_ =	swait.ge @!p0 [sflag:s0], s1  }
0x90: {  	s1 =	ssub.s32 @!p0 $0x0, s1;
	[sflag:s0] =	ssyncset.done @!p0 $0x0  }
0x91: {  	[sflag:s0] =	ssyncadd.s32 @!p0 s1  }
0x92: {  	[bflag:$0x3] =	sbarrier.arrive $0xFFFF  }
0x93: {  	_ =	shalt  }

</sc_bundles>
